<compile_context>
chip_gen: v7x
topology: tpu7x:2x2x1
jax: 0.10.2.dev20260603
libtpu: 0.0.44.dev20260713+nightly
codegen_flags: <defaults>
</compile_context>

<pallas_src>
import jax
import jax.numpy as jnp
from jax import lax
from jax.experimental import pallas as pl
from jax.experimental.pallas import tpu as pltpu
from jax.experimental.pallas import tpu_sc as plsc

NUM_EXPERTS = 8
TOP_K = 2
HIDDEN = 1024
BT = 2048
NC, NS, L = 2, 16, 16
NW = NC * NS
SC_T = 4096
TPW = SC_T // NW
GROUPS = TPW // L
T_REST = 32768 - SC_T


def _logits_block(x_ref, w_ref, logits_ref):
    logits_ref[...] = jax.lax.dot_general(
        w_ref[...], x_ref[...],
        dimension_numbers=(((1,), (1,)), ((), ())),
        preferred_element_type=jnp.float32,
    )


def _tc_logits_head(x, W):
    nblk = SC_T // BT
    return pl.pallas_call(
        _logits_block,
        grid=(nblk,),
        in_specs=[
            pl.BlockSpec((BT, HIDDEN), lambda i: (i, 0)),
            pl.BlockSpec((NUM_EXPERTS, HIDDEN), lambda i: (0, 0)),
        ],
        out_specs=pl.BlockSpec((NUM_EXPERTS, BT), lambda i: (0, i)),
        out_shape=jax.ShapeDtypeStruct((NUM_EXPERTS, SC_T), jnp.float32),
    )(x, W)


def _fused_block(x_ref, w_ref, logits_ref, aff_ref, idx_ref):
    x = x_ref[...]
    w = w_ref[...]
    logits = jax.lax.dot_general(
        w, x,
        dimension_numbers=(((1,), (1,)), ((), ())),
        preferred_element_type=jnp.float32,
    )
    m = jnp.max(logits, axis=0, keepdims=True)
    e = jnp.exp(logits - m)
    s = jnp.sum(e, axis=0, keepdims=True)
    aff = e * (1.0 / s)

    iota = jax.lax.broadcasted_iota(jnp.int32, aff.shape, 0)
    big = jnp.int32(NUM_EXPERTS)
    v1 = jnp.max(aff, axis=0, keepdims=True)
    idx1 = jnp.min(jnp.where(aff == v1, iota, big), axis=0, keepdims=True)
    aff2 = jnp.where(iota == idx1, -1.0, aff)
    v2 = jnp.max(aff2, axis=0, keepdims=True)
    idx2 = jnp.min(jnp.where(aff2 == v2, iota, big), axis=0, keepdims=True)

    logits_ref[...] = logits
    aff_ref[...] = aff
    idx_ref[...] = jnp.concatenate([idx1, idx2], axis=0)


def _tc_fused_rest(x, W, T):
    nblk = T_REST // BT
    blk0 = SC_T // BT
    return pl.pallas_call(
        _fused_block,
        grid=(nblk,),
        in_specs=[
            pl.BlockSpec((BT, HIDDEN), lambda i: (blk0 + i, 0)),
            pl.BlockSpec((NUM_EXPERTS, HIDDEN), lambda i: (0, 0)),
        ],
        out_specs=[
            pl.BlockSpec((NUM_EXPERTS, BT), lambda i: (0, blk0 + i)),
            pl.BlockSpec((NUM_EXPERTS, BT), lambda i: (0, blk0 + i)),
            pl.BlockSpec((TOP_K, BT), lambda i: (0, blk0 + i)),
        ],
        out_shape=[
            jax.ShapeDtypeStruct((NUM_EXPERTS, T), jnp.float32),
            jax.ShapeDtypeStruct((NUM_EXPERTS, T), jnp.float32),
            jax.ShapeDtypeStruct((TOP_K, T), jnp.int32),
        ],
    )(x, W)


def _sc_route_body(logits_hbm, aff_out, idx_out, logits_v, aff_v, idx_v):
    wid = lax.axis_index("s") * NC + lax.axis_index("c")
    tok0 = wid * TPW

    pltpu.sync_copy(logits_hbm.at[:, pl.ds(tok0, TPW)], logits_v)

    def gbody(g, _):
        off = g * L
        l = [logits_v[e, pl.ds(off, L)] for e in range(NUM_EXPERTS)]
        m = l[0]
        for e in range(1, NUM_EXPERTS):
            m = jnp.maximum(m, l[e])
        ex = [jnp.exp(v - m) for v in l]
        s = ex[0]
        for e in range(1, NUM_EXPERTS):
            s = s + ex[e]
        r = 1.0 / s
        a = [v * r for v in ex]
        for e in range(NUM_EXPERTS):
            aff_v[e, pl.ds(off, L)] = a[e]
        best = a[0]
        bidx = jnp.zeros((L,), jnp.int32)
        second = jnp.full((L,), -1.0, jnp.float32)
        sidx = jnp.zeros((L,), jnp.int32)
        for e in range(1, NUM_EXPERTS):
            esp = jnp.full((L,), e, jnp.int32)
            gt_best = a[e] > best
            gt_sec = a[e] > second
            second = jnp.where(gt_best, best, jnp.where(gt_sec, a[e], second))
            sidx = jnp.where(gt_best, bidx, jnp.where(gt_sec, esp, sidx))
            best = jnp.where(gt_best, a[e], best)
            bidx = jnp.where(gt_best, esp, bidx)
        idx_v[0, pl.ds(off, L)] = bidx
        idx_v[1, pl.ds(off, L)] = sidx
        return 0

    lax.fori_loop(0, GROUPS, gbody, 0)

    pltpu.sync_copy(aff_v, aff_out.at[:, pl.ds(tok0, TPW)])
    pltpu.sync_copy(idx_v, idx_out.at[:, pl.ds(tok0, TPW)])


def _sc_route(logits_head):
    mesh = plsc.VectorSubcoreMesh(core_axis_name="c", subcore_axis_name="s")
    k = pl.kernel(
        _sc_route_body,
        out_type=[
            jax.ShapeDtypeStruct((NUM_EXPERTS, SC_T), jnp.float32),
            jax.ShapeDtypeStruct((TOP_K, SC_T), jnp.int32),
        ],
        mesh=mesh,
        compiler_params=pltpu.CompilerParams(skip_device_barrier=True),
        scratch_types=[
            pltpu.VMEM((NUM_EXPERTS, TPW), jnp.float32),
            pltpu.VMEM((NUM_EXPERTS, TPW), jnp.float32),
            pltpu.VMEM((TOP_K, TPW), jnp.int32),
        ],
    )
    return k(logits_head)


@jax.jit
def _router(x, W):
    T = x.shape[0]
    logits_head = _tc_logits_head(x, W)
    aff_head, idx_head = _sc_route(logits_head)
    logits_w, aff_w, idx_w = _tc_fused_rest(x, W, T)
    logits_w = lax.dynamic_update_slice(logits_w, logits_head, (0, 0))
    aff_w = lax.dynamic_update_slice(aff_w, aff_head, (0, 0))
    idx_w = lax.dynamic_update_slice(idx_w, idx_head, (0, 0))
    return logits_w.T, aff_w.T, idx_w.T


def kernel(hidden_states, W):
    B, S, H = hidden_states.shape
    x = hidden_states.reshape(B * S, H)
    return _router(x, W)

# --- scband reference (transcript-rebuilt; emitter-appended) ---
"""Pipeline reference for scband-router-base-48954037240388 (READ-ONLY COPY).

The authoritative reference and input builder live on the scoring server;
editing this copy changes nothing except your own understanding.
"""

import jax, jax.numpy as jnp
import numpy as np

NUM_EXPERTS = 8
TOP_K = 2
HIDDEN = 1024
B = 4
S = 8192


def setup_inputs(seed: int = 0) -> dict:
    key = jax.random.key(seed)
    k1, k2 = jax.random.split(key)
    hidden_states = jax.random.normal(k1, (B, S, HIDDEN), dtype=jnp.float32)
    # LinearRouter weight, nn.Linear convention: (out_features=E, in_features=H), no bias
    W = jax.random.normal(k2, (NUM_EXPERTS, HIDDEN), dtype=jnp.float32) * (1.0 / np.sqrt(HIDDEN))
    return {"hidden_states": hidden_states, "W": W}


def reference(hidden_states, W):
    # Flatten (B, S, H) -> (T, H)
    T = hidden_states.shape[0] * hidden_states.shape[1]
    x = hidden_states.reshape(T, HIDDEN)
    # Router linear projection -> (T, E)
    router_logits = x @ W.T
    # act_fn == 'softmax': softmax over experts in higher precision, cast back
    # (original uses float64; JAX default disables x64, so float32 accumulation is used)
    expert_affinities = jax.nn.softmax(router_logits.astype(jnp.float32), axis=1).astype(hidden_states.dtype)
    # Concrete top-k router: choose top_k experts by affinity per token -> (T, top_k)
    _, expert_index = jax.lax.top_k(expert_affinities, TOP_K)
    return (router_logits, expert_affinities, expert_index)

if __name__ == "__main__":
    import jax
    _d = setup_inputs()
    print(jax.jit(kernel)(*tuple(_d.values())))

</pallas_src>

<mosaic_0001>
#map = affine_map<(d0, d1) -> (0, 0)>
module attributes {stable_mosaic.version = 14 : i64} {
  func.func @_sc_route_body(%arg0: i32, %arg1: i32, %arg2: memref<8x4096xf32, #tpu.memory_space<hbm>>, %arg3: memref<8x4096xf32, #tpu.memory_space<hbm>>, %arg4: memref<2x4096xi32, #tpu.memory_space<hbm>>, %arg5: memref<8x128xf32, #tpu.memory_space<vmem>>, %arg6: memref<8x128xf32, #tpu.memory_space<vmem>>, %arg7: memref<2x128xi32, #tpu.memory_space<vmem>>) attributes {dimension_semantics = [#tpu.dimension_semantics<core_parallel>, #tpu.dimension_semantics<subcore_parallel>], iteration_bounds = array<i64: 2, 16>, scalar_prefetch = 0 : i64, scratch_operands = 3 : i64, tpu.core_type = #tpu.core_type<sc_vector_subcore>, window_params = [{transform_indices = #map}, {transform_indices = #map}, {transform_indices = #map}]} {
    %mul3A = arith.constant 2 : i32
    %mul3A_0 = arith.muli %arg1, %mul3A : i32
    %add3A = arith.addi %mul3A_0, %arg0 : i32
    %mul3A_1 = arith.constant 128 : i32
    %mul3A_2 = arith.muli %add3A, %mul3A_1 : i32
    "tpu.region"() ({
      %run_scoped3A = tpu.sem_alloc : memref<!tpu.dma_semaphore, #tpu.memory_space<semaphore_mem>>
      %dma_start3A = arith.constant 0 : i32
      %dma_start3A_9 = tpu.memref_slice %arg2[%dma_start3A, %mul3A_2] : memref<8x4096xf32, #tpu.memory_space<hbm>> -> memref<8x128xf32, #tpu.memory_space<hbm>>
      %dma_start3A_10 = arith.constant 0 : i32
      %dma_start3A_11 = tpu.memref_slice %arg2[%dma_start3A_10, %mul3A_2] : memref<8x4096xf32, #tpu.memory_space<hbm>> -> memref<8x128xf32, #tpu.memory_space<hbm>>
      tpu.enqueue_dma source(%dma_start3A_11 : memref<8x128xf32, #tpu.memory_space<hbm>>) target(%arg5 : memref<8x128xf32, #tpu.memory_space<vmem>>) target_semaphore(%run_scoped3A : memref<!tpu.dma_semaphore, #tpu.memory_space<semaphore_mem>>)
      %dma_wait3A = arith.constant 0 : i32
      %dma_wait3A_12 = tpu.memref_slice %arg2[%dma_wait3A, %mul3A_2] : memref<8x4096xf32, #tpu.memory_space<hbm>> -> memref<8x128xf32, #tpu.memory_space<hbm>>
      %dma_wait3A_13 = arith.constant 0 : i32
      %dma_wait3A_14 = tpu.memref_slice %arg2[%dma_wait3A_13, %mul3A_2] : memref<8x4096xf32, #tpu.memory_space<hbm>> -> memref<8x128xf32, #tpu.memory_space<hbm>>
      tpu.wait_dma2 semaphore(%run_scoped3A : memref<!tpu.dma_semaphore, #tpu.memory_space<semaphore_mem>>) src(%dma_wait3A_14 : memref<8x128xf32, #tpu.memory_space<hbm>>) dst(%arg5 : memref<8x128xf32, #tpu.memory_space<vmem>>)
      tpu.yield
    }) : () -> ()
    %scan3A = arith.constant 0 : i32
    %scan3A_3 = arith.constant 0 : i32
    %scan3A_4 = arith.constant 8 : i32
    %scan3A_5 = arith.addi %scan3A_3, %scan3A_4 : i32
    %scan3A_6 = arith.constant 1 : i32
    %scan3A_7 = scf.for %scan3A_9 = %scan3A_3 to %scan3A_5 step %scan3A_6 iter_args(%scan3A_10 = %scan3A) -> (i32)  : i32 {
      %mul3A_11 = arith.constant 16 : i32
      %mul3A_12 = arith.muli %scan3A_9, %mul3A_11 : i32
      %get3A = arith.constant 0 : i32
      %get3A_13 = arith.index_cast %get3A : i32 to index
      %get3A_14 = arith.index_cast %mul3A_12 : i32 to index
      %get3A_15 = tpu.vector_load %arg5[%get3A_13, %get3A_14] {strides = array<i32>} : memref<8x128xf32, #tpu.memory_space<vmem>>, vector<1x16xf32>,
      %get3A_16 = vector.shape_cast %get3A_15 : vector<1x16xf32> to vector<16xf32>
      %get3A_17 = arith.constant 1 : i32
      %get3A_18 = arith.index_cast %get3A_17 : i32 to index
      %get3A_19 = arith.index_cast %mul3A_12 : i32 to index
      %get3A_20 = tpu.vector_load %arg5[%get3A_18, %get3A_19] {strides = array<i32>} : memref<8x128xf32, #tpu.memory_space<vmem>>, vector<1x16xf32>,
      %get3A_21 = vector.shape_cast %get3A_20 : vector<1x16xf32> to vector<16xf32>
      %get3A_22 = arith.constant 2 : i32
      %get3A_23 = arith.index_cast %get3A_22 : i32 to index
      %get3A_24 = arith.index_cast %mul3A_12 : i32 to index
      %get3A_25 = tpu.vector_load %arg5[%get3A_23, %get3A_24] {strides = array<i32>} : memref<8x128xf32, #tpu.memory_space<vmem>>, vector<1x16xf32>,
      %get3A_26 = vector.shape_cast %get3A_25 : vector<1x16xf32> to vector<16xf32>
      %get3A_27 = arith.constant 3 : i32
      %get3A_28 = arith.index_cast %get3A_27 : i32 to index
      %get3A_29 = arith.index_cast %mul3A_12 : i32 to index
      %get3A_30 = tpu.vector_load %arg5[%get3A_28, %get3A_29] {strides = array<i32>} : memref<8x128xf32, #tpu.memory_space<vmem>>, vector<1x16xf32>,
      %get3A_31 = vector.shape_cast %get3A_30 : vector<1x16xf32> to vector<16xf32>
      %get3A_32 = arith.constant 4 : i32
      %get3A_33 = arith.index_cast %get3A_32 : i32 to index
      %get3A_34 = arith.index_cast %mul3A_12 : i32 to index
      %get3A_35 = tpu.vector_load %arg5[%get3A_33, %get3A_34] {strides = array<i32>} : memref<8x128xf32, #tpu.memory_space<vmem>>, vector<1x16xf32>,
      %get3A_36 = vector.shape_cast %get3A_35 : vector<1x16xf32> to vector<16xf32>
      %get3A_37 = arith.constant 5 : i32
      %get3A_38 = arith.index_cast %get3A_37 : i32 to index
      %get3A_39 = arith.index_cast %mul3A_12 : i32 to index
      %get3A_40 = tpu.vector_load %arg5[%get3A_38, %get3A_39] {strides = array<i32>} : memref<8x128xf32, #tpu.memory_space<vmem>>, vector<1x16xf32>,
      %get3A_41 = vector.shape_cast %get3A_40 : vector<1x16xf32> to vector<16xf32>
      %get3A_42 = arith.constant 6 : i32
      %get3A_43 = arith.index_cast %get3A_42 : i32 to index
      %get3A_44 = arith.index_cast %mul3A_12 : i32 to index
      %get3A_45 = tpu.vector_load %arg5[%get3A_43, %get3A_44] {strides = array<i32>} : memref<8x128xf32, #tpu.memory_space<vmem>>, vector<1x16xf32>,
      %get3A_46 = vector.shape_cast %get3A_45 : vector<1x16xf32> to vector<16xf32>
      %get3A_47 = arith.constant 7 : i32
      %get3A_48 = arith.index_cast %get3A_47 : i32 to index
      %get3A_49 = arith.index_cast %mul3A_12 : i32 to index
      %get3A_50 = tpu.vector_load %arg5[%get3A_48, %get3A_49] {strides = array<i32>} : memref<8x128xf32, #tpu.memory_space<vmem>>, vector<1x16xf32>,
      %get3A_51 = vector.shape_cast %get3A_50 : vector<1x16xf32> to vector<16xf32>
      %max3A = arith.maximumf %get3A_16, %get3A_21 : vector<16xf32>
      %max3A_52 = arith.maximumf %max3A, %get3A_26 : vector<16xf32>
      %max3A_53 = arith.maximumf %max3A_52, %get3A_31 : vector<16xf32>
      %max3A_54 = arith.maximumf %max3A_53, %get3A_36 : vector<16xf32>
      %max3A_55 = arith.maximumf %max3A_54, %get3A_41 : vector<16xf32>
      %max3A_56 = arith.maximumf %max3A_55, %get3A_46 : vector<16xf32>
      %max3A_57 = arith.maximumf %max3A_56, %get3A_51 : vector<16xf32>
      %sub3A = arith.subf %get3A_16, %max3A_57 : vector<16xf32>
      %exp3A = math.exp %sub3A : vector<16xf32>
      %sub3A_58 = arith.subf %get3A_21, %max3A_57 : vector<16xf32>
      %exp3A_59 = math.exp %sub3A_58 : vector<16xf32>
      %sub3A_60 = arith.subf %get3A_26, %max3A_57 : vector<16xf32>
      %exp3A_61 = math.exp %sub3A_60 : vector<16xf32>
      %sub3A_62 = arith.subf %get3A_31, %max3A_57 : vector<16xf32>
      %exp3A_63 = math.exp %sub3A_62 : vector<16xf32>
      %sub3A_64 = arith.subf %get3A_36, %max3A_57 : vector<16xf32>
      %exp3A_65 = math.exp %sub3A_64 : vector<16xf32>
      %sub3A_66 = arith.subf %get3A_41, %max3A_57 : vector<16xf32>
      %exp3A_67 = math.exp %sub3A_66 : vector<16xf32>
      %sub3A_68 = arith.subf %get3A_46, %max3A_57 : vector<16xf32>
      %exp3A_69 = math.exp %sub3A_68 : vector<16xf32>
      %sub3A_70 = arith.subf %get3A_51, %max3A_57 : vector<16xf32>
      %exp3A_71 = math.exp %sub3A_70 : vector<16xf32>
      %add3A_72 = arith.addf %exp3A, %exp3A_59 : vector<16xf32>
      %add3A_73 = arith.addf %add3A_72, %exp3A_61 : vector<16xf32>
      %add3A_74 = arith.addf %add3A_73, %exp3A_63 : vector<16xf32>
      %add3A_75 = arith.addf %add3A_74, %exp3A_65 : vector<16xf32>
      %add3A_76 = arith.addf %add3A_75, %exp3A_67 : vector<16xf32>
      %add3A_77 = arith.addf %add3A_76, %exp3A_69 : vector<16xf32>
      %add3A_78 = arith.addf %add3A_77, %exp3A_71 : vector<16xf32>
      %div3A = arith.constant 1.000000e+00 : f32
      %div3A_79 = vector.broadcast %div3A : f32 to vector<16xf32>
      %div3A_80 = arith.divf %div3A_79, %add3A_78 : vector<16xf32>
      %mul3A_81 = arith.mulf %exp3A, %div3A_80 : vector<16xf32>
      %mul3A_82 = arith.mulf %exp3A_59, %div3A_80 : vector<16xf32>
      %mul3A_83 = arith.mulf %exp3A_61, %div3A_80 : vector<16xf32>
      %mul3A_84 = arith.mulf %exp3A_63, %div3A_80 : vector<16xf32>
      %mul3A_85 = arith.mulf %exp3A_65, %div3A_80 : vector<16xf32>
      %mul3A_86 = arith.mulf %exp3A_67, %div3A_80 : vector<16xf32>
      %mul3A_87 = arith.mulf %exp3A_69, %div3A_80 : vector<16xf32>
      %mul3A_88 = arith.mulf %exp3A_71, %div3A_80 : vector<16xf32>
      %swap3A = arith.constant 0 : i32
      %swap3A_89 = arith.index_cast %swap3A : i32 to index
      %swap3A_90 = arith.index_cast %mul3A_12 : i32 to index
      %swap3A_91 = tpu.vector_load %arg6[%swap3A_89, %swap3A_90] {strides = array<i32>} : memref<8x128xf32, #tpu.memory_space<vmem>>, vector<1x16xf32>,
      %swap3A_92 = vector.shape_cast %swap3A_91 : vector<1x16xf32> to vector<16xf32>
      %swap3A_93 = vector.shape_cast %mul3A_81 : vector<16xf32> to vector<1x16xf32>
      tpu.vector_store %arg6[%swap3A_89, %swap3A_90], %swap3A_93 {strides = array<i32>} : memref<8x128xf32, #tpu.memory_space<vmem>>, vector<1x16xf32>,
      %swap3A_94 = arith.constant 1 : i32
      %swap3A_95 = arith.index_cast %swap3A_94 : i32 to index
      %swap3A_96 = arith.index_cast %mul3A_12 : i32 to index
      %swap3A_97 = tpu.vector_load %arg6[%swap3A_95, %swap3A_96] {strides = array<i32>} : memref<8x128xf32, #tpu.memory_space<vmem>>, vector<1x16xf32>,
      %swap3A_98 = vector.shape_cast %swap3A_97 : vector<1x16xf32> to vector<16xf32>
      %swap3A_99 = vector.shape_cast %mul3A_82 : vector<16xf32> to vector<1x16xf32>
      tpu.vector_store %arg6[%swap3A_95, %swap3A_96], %swap3A_99 {strides = array<i32>} : memref<8x128xf32, #tpu.memory_space<vmem>>, vector<1x16xf32>,
      %swap3A_100 = arith.constant 2 : i32
      %swap3A_101 = arith.index_cast %swap3A_100 : i32 to index
      %swap3A_102 = arith.index_cast %mul3A_12 : i32 to index
      %swap3A_103 = tpu.vector_load %arg6[%swap3A_101, %swap3A_102] {strides = array<i32>} : memref<8x128xf32, #tpu.memory_space<vmem>>, vector<1x16xf32>,
      %swap3A_104 = vector.shape_cast %swap3A_103 : vector<1x16xf32> to vector<16xf32>
      %swap3A_105 = vector.shape_cast %mul3A_83 : vector<16xf32> to vector<1x16xf32>
      tpu.vector_store %arg6[%swap3A_101, %swap3A_102], %swap3A_105 {strides = array<i32>} : memref<8x128xf32, #tpu.memory_space<vmem>>, vector<1x16xf32>,
      %swap3A_106 = arith.constant 3 : i32
      %swap3A_107 = arith.index_cast %swap3A_106 : i32 to index
      %swap3A_108 = arith.index_cast %mul3A_12 : i32 to index
      %swap3A_109 = tpu.vector_load %arg6[%swap3A_107, %swap3A_108] {strides = array<i32>} : memref<8x128xf32, #tpu.memory_space<vmem>>, vector<1x16xf32>,
      %swap3A_110 = vector.shape_cast %swap3A_109 : vector<1x16xf32> to vector<16xf32>
      %swap3A_111 = vector.shape_cast %mul3A_84 : vector<16xf32> to vector<1x16xf32>
      tpu.vector_store %arg6[%swap3A_107, %swap3A_108], %swap3A_111 {strides = array<i32>} : memref<8x128xf32, #tpu.memory_space<vmem>>, vector<1x16xf32>,
      %swap3A_112 = arith.constant 4 : i32
      %swap3A_113 = arith.index_cast %swap3A_112 : i32 to index
      %swap3A_114 = arith.index_cast %mul3A_12 : i32 to index
      %swap3A_115 = tpu.vector_load %arg6[%swap3A_113, %swap3A_114] {strides = array<i32>} : memref<8x128xf32, #tpu.memory_space<vmem>>, vector<1x16xf32>,
      %swap3A_116 = vector.shape_cast %swap3A_115 : vector<1x16xf32> to vector<16xf32>
      %swap3A_117 = vector.shape_cast %mul3A_85 : vector<16xf32> to vector<1x16xf32>
      tpu.vector_store %arg6[%swap3A_113, %swap3A_114], %swap3A_117 {strides = array<i32>} : memref<8x128xf32, #tpu.memory_space<vmem>>, vector<1x16xf32>,
      %swap3A_118 = arith.constant 5 : i32
      %swap3A_119 = arith.index_cast %swap3A_118 : i32 to index
      %swap3A_120 = arith.index_cast %mul3A_12 : i32 to index
      %swap3A_121 = tpu.vector_load %arg6[%swap3A_119, %swap3A_120] {strides = array<i32>} : memref<8x128xf32, #tpu.memory_space<vmem>>, vector<1x16xf32>,
      %swap3A_122 = vector.shape_cast %swap3A_121 : vector<1x16xf32> to vector<16xf32>
      %swap3A_123 = vector.shape_cast %mul3A_86 : vector<16xf32> to vector<1x16xf32>
      tpu.vector_store %arg6[%swap3A_119, %swap3A_120], %swap3A_123 {strides = array<i32>} : memref<8x128xf32, #tpu.memory_space<vmem>>, vector<1x16xf32>,
      %swap3A_124 = arith.constant 6 : i32
      %swap3A_125 = arith.index_cast %swap3A_124 : i32 to index
      %swap3A_126 = arith.index_cast %mul3A_12 : i32 to index
      %swap3A_127 = tpu.vector_load %arg6[%swap3A_125, %swap3A_126] {strides = array<i32>} : memref<8x128xf32, #tpu.memory_space<vmem>>, vector<1x16xf32>,
      %swap3A_128 = vector.shape_cast %swap3A_127 : vector<1x16xf32> to vector<16xf32>
      %swap3A_129 = vector.shape_cast %mul3A_87 : vector<16xf32> to vector<1x16xf32>
      tpu.vector_store %arg6[%swap3A_125, %swap3A_126], %swap3A_129 {strides = array<i32>} : memref<8x128xf32, #tpu.memory_space<vmem>>, vector<1x16xf32>,
      %swap3A_130 = arith.constant 7 : i32
      %swap3A_131 = arith.index_cast %swap3A_130 : i32 to index
      %swap3A_132 = arith.index_cast %mul3A_12 : i32 to index
      %swap3A_133 = tpu.vector_load %arg6[%swap3A_131, %swap3A_132] {strides = array<i32>} : memref<8x128xf32, #tpu.memory_space<vmem>>, vector<1x16xf32>,
      %swap3A_134 = vector.shape_cast %swap3A_133 : vector<1x16xf32> to vector<16xf32>
      %swap3A_135 = vector.shape_cast %mul3A_88 : vector<16xf32> to vector<1x16xf32>
      tpu.vector_store %arg6[%swap3A_131, %swap3A_132], %swap3A_135 {strides = array<i32>} : memref<8x128xf32, #tpu.memory_space<vmem>>, vector<1x16xf32>,
      %broadcast_in_dim3A = arith.constant 0 : i32
      %broadcast_in_dim3A_136 = vector.broadcast %broadcast_in_dim3A : i32 to vector<16xi32>
      %broadcast_in_dim3A_137 = arith.constant -1.000000e+00 : f32
      %broadcast_in_dim3A_138 = vector.broadcast %broadcast_in_dim3A_137 : f32 to vector<16xf32>
      %broadcast_in_dim3A_139 = arith.constant 0 : i32
      %broadcast_in_dim3A_140 = vector.broadcast %broadcast_in_dim3A_139 : i32 to vector<16xi32>
      %broadcast_in_dim3A_141 = arith.constant 1 : i32
      %broadcast_in_dim3A_142 = vector.broadcast %broadcast_in_dim3A_141 : i32 to vector<16xi32>
      %gt3A = arith.cmpf ogt, %mul3A_82, %mul3A_81 : vector<16xf32>
      %gt3A_143 = arith.cmpf ogt, %mul3A_82, %broadcast_in_dim3A_138 : vector<16xf32>
      %select_n3A = arith.select %gt3A_143, %mul3A_82, %broadcast_in_dim3A_138 : vector<16xi1>, vector<16xf32>
      %select_n3A_144 = arith.select %gt3A, %mul3A_81, %select_n3A : vector<16xi1>, vector<16xf32>
      %select_n3A_145 = arith.select %gt3A_143, %broadcast_in_dim3A_142, %broadcast_in_dim3A_140 : vector<16xi1>, vector<16xi32>
      %select_n3A_146 = arith.select %gt3A, %broadcast_in_dim3A_136, %select_n3A_145 : vector<16xi1>, vector<16xi32>
      %select_n3A_147 = arith.select %gt3A, %mul3A_82, %mul3A_81 : vector<16xi1>, vector<16xf32>
      %select_n3A_148 = arith.select %gt3A, %broadcast_in_dim3A_142, %broadcast_in_dim3A_136 : vector<16xi1>, vector<16xi32>
      %broadcast_in_dim3A_149 = arith.constant 2 : i32
      %broadcast_in_dim3A_150 = vector.broadcast %broadcast_in_dim3A_149 : i32 to vector<16xi32>
      %gt3A_151 = arith.cmpf ogt, %mul3A_83, %select_n3A_147 : vector<16xf32>
      %gt3A_152 = arith.cmpf ogt, %mul3A_83, %select_n3A_144 : vector<16xf32>
      %select_n3A_153 = arith.select %gt3A_152, %mul3A_83, %select_n3A_144 : vector<16xi1>, vector<16xf32>
      %select_n3A_154 = arith.select %gt3A_151, %select_n3A_147, %select_n3A_153 : vector<16xi1>, vector<16xf32>
      %select_n3A_155 = arith.select %gt3A_152, %broadcast_in_dim3A_150, %select_n3A_146 : vector<16xi1>, vector<16xi32>
      %select_n3A_156 = arith.select %gt3A_151, %select_n3A_148, %select_n3A_155 : vector<16xi1>, vector<16xi32>
      %select_n3A_157 = arith.select %gt3A_151, %mul3A_83, %select_n3A_147 : vector<16xi1>, vector<16xf32>
      %select_n3A_158 = arith.select %gt3A_151, %broadcast_in_dim3A_150, %select_n3A_148 : vector<16xi1>, vector<16xi32>
      %broadcast_in_dim3A_159 = arith.constant 3 : i32
      %broadcast_in_dim3A_160 = vector.broadcast %broadcast_in_dim3A_159 : i32 to vector<16xi32>
      %gt3A_161 = arith.cmpf ogt, %mul3A_84, %select_n3A_157 : vector<16xf32>
      %gt3A_162 = arith.cmpf ogt, %mul3A_84, %select_n3A_154 : vector<16xf32>
      %select_n3A_163 = arith.select %gt3A_162, %mul3A_84, %select_n3A_154 : vector<16xi1>, vector<16xf32>
      %select_n3A_164 = arith.select %gt3A_161, %select_n3A_157, %select_n3A_163 : vector<16xi1>, vector<16xf32>
      %select_n3A_165 = arith.select %gt3A_162, %broadcast_in_dim3A_160, %select_n3A_156 : vector<16xi1>, vector<16xi32>
      %select_n3A_166 = arith.select %gt3A_161, %select_n3A_158, %select_n3A_165 : vector<16xi1>, vector<16xi32>
      %select_n3A_167 = arith.select %gt3A_161, %mul3A_84, %select_n3A_157 : vector<16xi1>, vector<16xf32>
      %select_n3A_168 = arith.select %gt3A_161, %broadcast_in_dim3A_160, %select_n3A_158 : vector<16xi1>, vector<16xi32>
      %broadcast_in_dim3A_169 = arith.constant 4 : i32
      %broadcast_in_dim3A_170 = vector.broadcast %broadcast_in_dim3A_169 : i32 to vector<16xi32>
      %gt3A_171 = arith.cmpf ogt, %mul3A_85, %select_n3A_167 : vector<16xf32>
      %gt3A_172 = arith.cmpf ogt, %mul3A_85, %select_n3A_164 : vector<16xf32>
      %select_n3A_173 = arith.select %gt3A_172, %mul3A_85, %select_n3A_164 : vector<16xi1>, vector<16xf32>
      %select_n3A_174 = arith.select %gt3A_171, %select_n3A_167, %select_n3A_173 : vector<16xi1>, vector<16xf32>
      %select_n3A_175 = arith.select %gt3A_172, %broadcast_in_dim3A_170, %select_n3A_166 : vector<16xi1>, vector<16xi32>
      %select_n3A_176 = arith.select %gt3A_171, %select_n3A_168, %select_n3A_175 : vector<16xi1>, vector<16xi32>
      %select_n3A_177 = arith.select %gt3A_171, %mul3A_85, %select_n3A_167 : vector<16xi1>, vector<16xf32>
      %select_n3A_178 = arith.select %gt3A_171, %broadcast_in_dim3A_170, %select_n3A_168 : vector<16xi1>, vector<16xi32>
      %broadcast_in_dim3A_179 = arith.constant 5 : i32
      %broadcast_in_dim3A_180 = vector.broadcast %broadcast_in_dim3A_179 : i32 to vector<16xi32>
      %gt3A_181 = arith.cmpf ogt, %mul3A_86, %select_n3A_177 : vector<16xf32>
      %gt3A_182 = arith.cmpf ogt, %mul3A_86, %select_n3A_174 : vector<16xf32>
      %select_n3A_183 = arith.select %gt3A_182, %mul3A_86, %select_n3A_174 : vector<16xi1>, vector<16xf32>
      %select_n3A_184 = arith.select %gt3A_181, %select_n3A_177, %select_n3A_183 : vector<16xi1>, vector<16xf32>
      %select_n3A_185 = arith.select %gt3A_182, %broadcast_in_dim3A_180, %select_n3A_176 : vector<16xi1>, vector<16xi32>
      %select_n3A_186 = arith.select %gt3A_181, %select_n3A_178, %select_n3A_185 : vector<16xi1>, vector<16xi32>
      %select_n3A_187 = arith.select %gt3A_181, %mul3A_86, %select_n3A_177 : vector<16xi1>, vector<16xf32>
      %select_n3A_188 = arith.select %gt3A_181, %broadcast_in_dim3A_180, %select_n3A_178 : vector<16xi1>, vector<16xi32>
      %broadcast_in_dim3A_189 = arith.constant 6 : i32
      %broadcast_in_dim3A_190 = vector.broadcast %broadcast_in_dim3A_189 : i32 to vector<16xi32>
      %gt3A_191 = arith.cmpf ogt, %mul3A_87, %select_n3A_187 : vector<16xf32>
      %gt3A_192 = arith.cmpf ogt, %mul3A_87, %select_n3A_184 : vector<16xf32>
      %select_n3A_193 = arith.select %gt3A_192, %mul3A_87, %select_n3A_184 : vector<16xi1>, vector<16xf32>
      %select_n3A_194 = arith.select %gt3A_191, %select_n3A_187, %select_n3A_193 : vector<16xi1>, vector<16xf32>
      %select_n3A_195 = arith.select %gt3A_192, %broadcast_in_dim3A_190, %select_n3A_186 : vector<16xi1>, vector<16xi32>
      %select_n3A_196 = arith.select %gt3A_191, %select_n3A_188, %select_n3A_195 : vector<16xi1>, vector<16xi32>
      %select_n3A_197 = arith.select %gt3A_191, %mul3A_87, %select_n3A_187 : vector<16xi1>, vector<16xf32>
      %select_n3A_198 = arith.select %gt3A_191, %broadcast_in_dim3A_190, %select_n3A_188 : vector<16xi1>, vector<16xi32>
      %broadcast_in_dim3A_199 = arith.constant 7 : i32
      %broadcast_in_dim3A_200 = vector.broadcast %broadcast_in_dim3A_199 : i32 to vector<16xi32>
      %gt3A_201 = arith.cmpf ogt, %mul3A_88, %select_n3A_197 : vector<16xf32>
      %gt3A_202 = arith.cmpf ogt, %mul3A_88, %select_n3A_194 : vector<16xf32>
      %select_n3A_203 = arith.select %gt3A_202, %mul3A_88, %select_n3A_194 : vector<16xi1>, vector<16xf32>
      %select_n3A_204 = arith.select %gt3A_201, %select_n3A_197, %select_n3A_203 : vector<16xi1>, vector<16xf32>
      %select_n3A_205 = arith.select %gt3A_202, %broadcast_in_dim3A_200, %select_n3A_196 : vector<16xi1>, vector<16xi32>
      %select_n3A_206 = arith.select %gt3A_201, %select_n3A_198, %select_n3A_205 : vector<16xi1>, vector<16xi32>
      %select_n3A_207 = arith.select %gt3A_201, %mul3A_88, %select_n3A_197 : vector<16xi1>, vector<16xf32>
      %select_n3A_208 = arith.select %gt3A_201, %broadcast_in_dim3A_200, %select_n3A_198 : vector<16xi1>, vector<16xi32>
      %swap3A_209 = arith.constant 0 : i32
      %swap3A_210 = arith.index_cast %swap3A_209 : i32 to index
      %swap3A_211 = arith.index_cast %mul3A_12 : i32 to index
      %swap3A_212 = tpu.vector_load %arg7[%swap3A_210, %swap3A_211] {strides = array<i32>} : memref<2x128xi32, #tpu.memory_space<vmem>>, vector<1x16xi32>,
      %swap3A_213 = vector.shape_cast %swap3A_212 : vector<1x16xi32> to vector<16xi32>
      %swap3A_214 = vector.shape_cast %select_n3A_208 : vector<16xi32> to vector<1x16xi32>
      tpu.vector_store %arg7[%swap3A_210, %swap3A_211], %swap3A_214 {strides = array<i32>} : memref<2x128xi32, #tpu.memory_space<vmem>>, vector<1x16xi32>,
      %swap3A_215 = arith.constant 1 : i32
      %swap3A_216 = arith.index_cast %swap3A_215 : i32 to index
      %swap3A_217 = arith.index_cast %mul3A_12 : i32 to index
      %swap3A_218 = tpu.vector_load %arg7[%swap3A_216, %swap3A_217] {strides = array<i32>} : memref<2x128xi32, #tpu.memory_space<vmem>>, vector<1x16xi32>,
      %swap3A_219 = vector.shape_cast %swap3A_218 : vector<1x16xi32> to vector<16xi32>
      %swap3A_220 = vector.shape_cast %select_n3A_206 : vector<16xi32> to vector<1x16xi32>
      tpu.vector_store %arg7[%swap3A_216, %swap3A_217], %swap3A_220 {strides = array<i32>} : memref<2x128xi32, #tpu.memory_space<vmem>>, vector<1x16xi32>,
      %scan3A_221 = arith.constant 0 : i32
      scf.yield %scan3A_221 : i32
    }
    %scan3A_8 = arith.constant 8 : i32
    "tpu.region"() ({
      %run_scoped3A = tpu.sem_alloc : memref<!tpu.dma_semaphore, #tpu.memory_space<semaphore_mem>>
      %dma_start3A = arith.constant 0 : i32
      %dma_start3A_9 = tpu.memref_slice %arg3[%dma_start3A, %mul3A_2] : memref<8x4096xf32, #tpu.memory_space<hbm>> -> memref<8x128xf32, #tpu.memory_space<hbm>>
      %dma_start3A_10 = arith.constant 0 : i32
      %dma_start3A_11 = tpu.memref_slice %arg3[%dma_start3A_10, %mul3A_2] : memref<8x4096xf32, #tpu.memory_space<hbm>> -> memref<8x128xf32, #tpu.memory_space<hbm>>
      tpu.enqueue_dma source(%arg6 : memref<8x128xf32, #tpu.memory_space<vmem>>) target(%dma_start3A_11 : memref<8x128xf32, #tpu.memory_space<hbm>>) target_semaphore(%run_scoped3A : memref<!tpu.dma_semaphore, #tpu.memory_space<semaphore_mem>>)
      %dma_wait3A = arith.constant 0 : i32
      %dma_wait3A_12 = tpu.memref_slice %arg3[%dma_wait3A, %mul3A_2] : memref<8x4096xf32, #tpu.memory_space<hbm>> -> memref<8x128xf32, #tpu.memory_space<hbm>>
      %dma_wait3A_13 = arith.constant 0 : i32
      %dma_wait3A_14 = tpu.memref_slice %arg3[%dma_wait3A_13, %mul3A_2] : memref<8x4096xf32, #tpu.memory_space<hbm>> -> memref<8x128xf32, #tpu.memory_space<hbm>>
      tpu.wait_dma2 semaphore(%run_scoped3A : memref<!tpu.dma_semaphore, #tpu.memory_space<semaphore_mem>>) src(%arg6 : memref<8x128xf32, #tpu.memory_space<vmem>>) dst(%dma_wait3A_14 : memref<8x128xf32, #tpu.memory_space<hbm>>)
      tpu.yield
    }) : () -> ()
    "tpu.region"() ({
      %run_scoped3A = tpu.sem_alloc : memref<!tpu.dma_semaphore, #tpu.memory_space<semaphore_mem>>
      %dma_start3A = arith.constant 0 : i32
      %dma_start3A_9 = tpu.memref_slice %arg4[%dma_start3A, %mul3A_2] : memref<2x4096xi32, #tpu.memory_space<hbm>> -> memref<2x128xi32, #tpu.memory_space<hbm>>
      %dma_start3A_10 = arith.constant 0 : i32
      %dma_start3A_11 = tpu.memref_slice %arg4[%dma_start3A_10, %mul3A_2] : memref<2x4096xi32, #tpu.memory_space<hbm>> -> memref<2x128xi32, #tpu.memory_space<hbm>>
      tpu.enqueue_dma source(%arg7 : memref<2x128xi32, #tpu.memory_space<vmem>>) target(%dma_start3A_11 : memref<2x128xi32, #tpu.memory_space<hbm>>) target_semaphore(%run_scoped3A : memref<!tpu.dma_semaphore, #tpu.memory_space<semaphore_mem>>)
      %dma_wait3A = arith.constant 0 : i32
      %dma_wait3A_12 = tpu.memref_slice %arg4[%dma_wait3A, %mul3A_2] : memref<2x4096xi32, #tpu.memory_space<hbm>> -> memref<2x128xi32, #tpu.memory_space<hbm>>
      %dma_wait3A_13 = arith.constant 0 : i32
      %dma_wait3A_14 = tpu.memref_slice %arg4[%dma_wait3A_13, %mul3A_2] : memref<2x4096xi32, #tpu.memory_space<hbm>> -> memref<2x128xi32, #tpu.memory_space<hbm>>
      tpu.wait_dma2 semaphore(%run_scoped3A : memref<!tpu.dma_semaphore, #tpu.memory_space<semaphore_mem>>) src(%arg7 : memref<2x128xi32, #tpu.memory_space<vmem>>) dst(%dma_wait3A_14 : memref<2x128xi32, #tpu.memory_space<hbm>>)
      tpu.yield
    }) : () -> ()
    return
  }
}

module attributes {stable_mosaic.version = 14 : i64} {
  func.func @_logits_block(%arg0: i32, %arg1: memref<2048x1024xf32, #tpu.memory_space<vmem>>, %arg2: memref<8x1024xf32, #tpu.memory_space<vmem>>, %arg3: memref<8x2048xf32, #tpu.memory_space<vmem>>) attributes {dimension_semantics = [#tpu.dimension_semantics<arbitrary>], iteration_bounds = array<i64: 2>, scalar_prefetch = 0 : i64, scratch_operands = 0 : i64, tpu.core_type = #tpu.core_type<tc>, window_params = [{transform_indices = @transform_0, window_bounds = array<i64: 2048, 1024>}, {pipeline_mode = #tpu.pipeline_mode<synchronous>, transform_indices = @transform_1, window_bounds = array<i64: 8, 1024>}, {transform_indices = @transform_2, window_bounds = array<i64: 8, 2048>}]} {
    %get3A = arith.constant 0 : index
    %get3A_0 = arith.constant 0 : index
    %get3A_1 = vector.load %arg2[%get3A, %get3A_0] : memref<8x1024xf32, #tpu.memory_space<vmem>>, vector<8x1024xf32>
    %get3A_2 = arith.constant 0 : index
    %get3A_3 = arith.constant 0 : index
    %get3A_4 = vector.load %arg1[%get3A_2, %get3A_3] : memref<2048x1024xf32, #tpu.memory_space<vmem>>, vector<2048x1024xf32>
    %dot_general3A = arith.constant dense<0.000000e+00> : vector<8x2048xf32>
    %dot_general3A_5 = tpu.matmul %get3A_1, %get3A_4, %dot_general3A {dimension_numbers = #tpu.dot_dimension_numbers<[1], [1], [0], [0], [0, 0, 1, 0], [], []>, transpose_lhs_hint = false} : vector<8x1024xf32>, vector<2048x1024xf32>, vector<8x2048xf32> -> vector<8x2048xf32>
    %swap3A = arith.constant 0 : index
    %swap3A_6 = arith.constant 0 : index
    %swap3A_7 = vector.load %arg3[%swap3A, %swap3A_6] : memref<8x2048xf32, #tpu.memory_space<vmem>>, vector<8x2048xf32>
    tpu.vector_store %arg3[%swap3A, %swap3A_6], %dot_general3A_5 {strides = array<i32>} : memref<8x2048xf32, #tpu.memory_space<vmem>>, vector<8x2048xf32>,
    return
  }
  func.func @transform_0(%arg0: i32) -> (i32, i32) {
    %c0_i32 = arith.constant 0 : i32
    %c0_i32_0 = arith.constant 0 : i32
    return %arg0, %c0_i32 : i32, i32
  }
  func.func @transform_1(%arg0: i32) -> (i32, i32) {
    %c0_i32 = arith.constant 0 : i32
    %c0_i32_0 = arith.constant 0 : i32
    %c0_i32_1 = arith.constant 0 : i32
    return %c0_i32, %c0_i32_0 : i32, i32
  }
  func.func @transform_2(%arg0: i32) -> (i32, i32) {
    %c0_i32 = arith.constant 0 : i32
    %c0_i32_0 = arith.constant 0 : i32
    return %c0_i32, %arg0 : i32, i32
  }
}

module attributes {stable_mosaic.version = 14 : i64} {
  func.func @_fused_block(%arg0: i32, %arg1: memref<2048x1024xf32, #tpu.memory_space<vmem>>, %arg2: memref<8x1024xf32, #tpu.memory_space<vmem>>, %arg3: memref<8x2048xf32, #tpu.memory_space<vmem>>, %arg4: memref<8x2048xf32, #tpu.memory_space<vmem>>, %arg5: memref<2x2048xi32, #tpu.memory_space<vmem>>) attributes {dimension_semantics = [#tpu.dimension_semantics<arbitrary>], iteration_bounds = array<i64: 14>, scalar_prefetch = 0 : i64, scratch_operands = 0 : i64, tpu.core_type = #tpu.core_type<tc>, window_params = [{transform_indices = @transform_0, window_bounds = array<i64: 2048, 1024>}, {pipeline_mode = #tpu.pipeline_mode<synchronous>, transform_indices = @transform_1, window_bounds = array<i64: 8, 1024>}, {transform_indices = @transform_2, window_bounds = array<i64: 8, 2048>}, {transform_indices = @transform_3, window_bounds = array<i64: 8, 2048>}, {transform_indices = @transform_4, window_bounds = array<i64: 2, 2048>}]} {
    %get3A = arith.constant 0 : index
    %get3A_0 = arith.constant 0 : index
    %get3A_1 = vector.load %arg1[%get3A, %get3A_0] : memref<2048x1024xf32, #tpu.memory_space<vmem>>, vector<2048x1024xf32>
    %get3A_2 = arith.constant 0 : index
    %get3A_3 = arith.constant 0 : index
    %get3A_4 = vector.load %arg2[%get3A_2, %get3A_3] : memref<8x1024xf32, #tpu.memory_space<vmem>>, vector<8x1024xf32>
    %dot_general3A = arith.constant dense<0.000000e+00> : vector<8x2048xf32>
    %dot_general3A_5 = tpu.matmul %get3A_4, %get3A_1, %dot_general3A {dimension_numbers = #tpu.dot_dimension_numbers<[1], [1], [0], [0], [0, 0, 1, 0], [], []>, transpose_lhs_hint = false} : vector<8x1024xf32>, vector<2048x1024xf32>, vector<8x2048xf32> -> vector<8x2048xf32>
    %reduce_max3A = arith.constant dense<0xFF800000> : vector<2048xf32>
    %reduce_max3A_6 = vector.multi_reduction <maximumf>, %dot_general3A_5, %reduce_max3A [0] : vector<8x2048xf32> to vector<2048xf32>
    %broadcast_in_dim3A = vector.shape_cast %reduce_max3A_6 : vector<2048xf32> to vector<1x2048xf32>
    %sub3A = vector.broadcast %broadcast_in_dim3A : vector<1x2048xf32> to vector<8x2048xf32>
    %sub3A_7 = arith.subf %dot_general3A_5, %sub3A : vector<8x2048xf32>
    %exp3A = math.exp %sub3A_7 : vector<8x2048xf32>
    %reduce_sum3A = arith.constant dense<0.000000e+00> : vector<2048xf32>
    %reduce_sum3A_8 = vector.multi_reduction <add>, %exp3A, %reduce_sum3A [0] : vector<8x2048xf32> to vector<2048xf32>
    %broadcast_in_dim3A_9 = vector.shape_cast %reduce_sum3A_8 : vector<2048xf32> to vector<1x2048xf32>
    %div3A = arith.constant 1.000000e+00 : f32
    %div3A_10 = vector.broadcast %div3A : f32 to vector<1x2048xf32>
    %div3A_11 = arith.divf %div3A_10, %broadcast_in_dim3A_9 : vector<1x2048xf32>
    %mul3A = vector.broadcast %div3A_11 : vector<1x2048xf32> to vector<8x2048xf32>
    %mul3A_12 = arith.mulf %exp3A, %mul3A : vector<8x2048xf32>
    %iota3A = tpu.iota {dimensions = array<i32: 0>} : vector<8x2048xi32>
    %reduce_max3A_13 = arith.constant dense<0xFF800000> : vector<2048xf32>
    %reduce_max3A_14 = vector.multi_reduction <maximumf>, %mul3A_12, %reduce_max3A_13 [0] : vector<8x2048xf32> to vector<2048xf32>
    %broadcast_in_dim3A_15 = vector.shape_cast %reduce_max3A_14 : vector<2048xf32> to vector<1x2048xf32>
    %eq3A = vector.broadcast %broadcast_in_dim3A_15 : vector<1x2048xf32> to vector<8x2048xf32>
    %eq3A_16 = arith.cmpf oeq, %mul3A_12, %eq3A : vector<8x2048xf32>
    %jit3A = arith.constant 8 : i32
    %broadcast_in_dim3A_17 = vector.broadcast %jit3A : i32 to vector<8x2048xi32>
    %select_n3A = arith.select %eq3A_16, %iota3A, %broadcast_in_dim3A_17 : vector<8x2048xi1>, vector<8x2048xi32>
    %reduce_min3A = arith.constant dense<2147483647> : vector<2048xi32>
    %reduce_min3A_18 = vector.multi_reduction <minsi>, %select_n3A, %reduce_min3A [0] : vector<8x2048xi32> to vector<2048xi32>
    %broadcast_in_dim3A_19 = vector.shape_cast %reduce_min3A_18 : vector<2048xi32> to vector<1x2048xi32>
    %eq3A_20 = vector.broadcast %broadcast_in_dim3A_19 : vector<1x2048xi32> to vector<8x2048xi32>
    %eq3A_21 = arith.cmpi eq, %iota3A, %eq3A_20 : vector<8x2048xi32>
    %jit3A_22 = arith.constant -1.000000e+00 : f32
    %broadcast_in_dim3A_23 = vector.broadcast %jit3A_22 : f32 to vector<8x2048xf32>
    %select_n3A_24 = arith.select %eq3A_21, %broadcast_in_dim3A_23, %mul3A_12 : vector<8x2048xi1>, vector<8x2048xf32>
    %reduce_max3A_25 = arith.constant dense<0xFF800000> : vector<2048xf32>
    %reduce_max3A_26 = vector.multi_reduction <maximumf>, %select_n3A_24, %reduce_max3A_25 [0] : vector<8x2048xf32> to vector<2048xf32>
    %broadcast_in_dim3A_27 = vector.shape_cast %reduce_max3A_26 : vector<2048xf32> to vector<1x2048xf32>
    %eq3A_28 = vector.broadcast %broadcast_in_dim3A_27 : vector<1x2048xf32> to vector<8x2048xf32>
    %eq3A_29 = arith.cmpf oeq, %select_n3A_24, %eq3A_28 : vector<8x2048xf32>
    %jit3A_30 = arith.constant 8 : i32
    %broadcast_in_dim3A_31 = vector.broadcast %jit3A_30 : i32 to vector<8x2048xi32>
    %select_n3A_32 = arith.select %eq3A_29, %iota3A, %broadcast_in_dim3A_31 : vector<8x2048xi1>, vector<8x2048xi32>
    %reduce_min3A_33 = arith.constant dense<2147483647> : vector<2048xi32>
    %reduce_min3A_34 = vector.multi_reduction <minsi>, %select_n3A_32, %reduce_min3A_33 [0] : vector<8x2048xi32> to vector<2048xi32>
    %broadcast_in_dim3A_35 = vector.shape_cast %reduce_min3A_34 : vector<2048xi32> to vector<1x2048xi32>
    %swap3A = arith.constant 0 : index
    %swap3A_36 = arith.constant 0 : index
    %swap3A_37 = vector.load %arg3[%swap3A, %swap3A_36] : memref<8x2048xf32, #tpu.memory_space<vmem>>, vector<8x2048xf32>
    tpu.vector_store %arg3[%swap3A, %swap3A_36], %dot_general3A_5 {strides = array<i32>} : memref<8x2048xf32, #tpu.memory_space<vmem>>, vector<8x2048xf32>,
    %swap3A_38 = arith.constant 0 : index
    %swap3A_39 = arith.constant 0 : index
    %swap3A_40 = vector.load %arg4[%swap3A_38, %swap3A_39] : memref<8x2048xf32, #tpu.memory_space<vmem>>, vector<8x2048xf32>
    tpu.vector_store %arg4[%swap3A_38, %swap3A_39], %mul3A_12 {strides = array<i32>} : memref<8x2048xf32, #tpu.memory_space<vmem>>, vector<8x2048xf32>,
    %concatenate3A = tpu.concatenate %broadcast_in_dim3A_19, %broadcast_in_dim3A_35 in 0 : vector<1x2048xi32>, vector<1x2048xi32> -> vector<2x2048xi32>
    %swap3A_41 = arith.constant 0 : index
    %swap3A_42 = arith.constant 0 : index
    %swap3A_43 = vector.load %arg5[%swap3A_41, %swap3A_42] : memref<2x2048xi32, #tpu.memory_space<vmem>>, vector<2x2048xi32>
    tpu.vector_store %arg5[%swap3A_41, %swap3A_42], %concatenate3A {strides = array<i32>} : memref<2x2048xi32, #tpu.memory_space<vmem>>, vector<2x2048xi32>,
    return
  }
  func.func @transform_0(%arg0: i32) -> (i32, i32) {
    %add3A = arith.constant 2 : i32
    %add3A_0 = arith.addi %add3A, %arg0 : i32
    %c0_i32 = arith.constant 0 : i32
    %c0_i32_1 = arith.constant 0 : i32
    return %add3A_0, %c0_i32 : i32, i32
  }
  func.func @transform_1(%arg0: i32) -> (i32, i32) {
    %c0_i32 = arith.constant 0 : i32
    %c0_i32_0 = arith.constant 0 : i32
    %c0_i32_1 = arith.constant 0 : i32
    return %c0_i32, %c0_i32_0 : i32, i32
  }
  func.func @transform_2(%arg0: i32) -> (i32, i32) {
    %add3A = arith.constant 2 : i32
    %add3A_0 = arith.addi %add3A, %arg0 : i32
    %c0_i32 = arith.constant 0 : i32
    %c0_i32_1 = arith.constant 0 : i32
    return %c0_i32, %add3A_0 : i32, i32
  }
  func.func @transform_3(%arg0: i32) -> (i32, i32) {
    %add3A = arith.constant 2 : i32
    %add3A_0 = arith.addi %add3A, %arg0 : i32
    %c0_i32 = arith.constant 0 : i32
    %c0_i32_1 = arith.constant 0 : i32
    return %c0_i32, %add3A_0 : i32, i32
  }
  func.func @transform_4(%arg0: i32) -> (i32, i32) {
    %add3A = arith.constant 2 : i32
    %add3A_0 = arith.addi %add3A, %arg0 : i32
    %c0_i32 = arith.constant 0 : i32
    %c0_i32_1 = arith.constant 0 : i32
    return %c0_i32, %add3A_0 : i32, i32
  }
}

</mosaic_0001>

<sc_bundles>
// kernel: _router.5.cloned.1.call-start
scs
__scs_entry_jumppad:
0x0: {  	(pc) =	sbr.rel $0x88, $3  }
0x1: {  	(tag) =	ssettag $0x0;
	lr =	simm.s32 $0x1  }
0x2: {  	[smem:$0x3F9F] =	sst lr;
	_ =	strace $0xD0000000  }
0x3: {  	_ = 	snop  }
0x4: {  	_ = 	snop  }
0x5: {  	_ = 	snop  }
0x6: {  	_ = 	snop  }
0x7: {  	_ = 	snop  }
__scs_overlays_trampoline_lowered:
0x8: {  	[smem:$0x3FAE] =	sst s0  }
0x9: {  	[smem:$0x3FAF] =	sst s1  }
0xa: {  	[smem:$0x3FB0] =	sst s2  }
0xb: {  	[smem:$0x3FB1] =	sst s3  }
0xc: {  	[smem:$0x3FB2] =	sst s4  }
0xd: {  	[smem:$0x3FB3] =	sst s5  }
0xe: {  	[smem:$0x3FB4] =	sst s6  }
0xf: {  	[smem:$0x3FB5] =	sst s7  }
0x10: {  	[smem:$0x3FB6] =	sst s8  }
0x11: {  	[smem:$0x3FB7] =	sst s9;
	s0 =	simm.s32 @!p0 $0x0  }
0x12: {  	s1 =	sld [smem:$0x3F9D];
	s0 =	simm.s32 @p0 $0x1  }
0x13: {  	[smem:$0x3FB8] =	sst s0;
	s0 =	simm.s32 @!p1 $0x0  }
0x14: {  	s2 =	sld [smem:$0x3F9C];
	s0 =	simm.s32 @p1 $0x1  }
0x15: {  	[smem:$0x3FB9] =	sst s0;
	s0 =	simm.s32 @!p2 $0x0  }
0x16: {  	s3 =	sld [smem:$0x3FDB];
	s0 =	simm.s32 @p2 $0x1  }
0x17: {  	s4 =	simm.s32 $0x1BF5;
	[smem:$0x3FBB] =	sst s0  }
0x18: {  	s0 =	sld [smem:$0x3F9E];
	_ =	swait.ge [sflag:s4], $0x0  }
0x19: {  	s7 =	sld [smem:$0x3F9F]  }
0x1a: {  	s8 =	sadd.s32 $0xFFFFE003, lr  }
0x1b: {  	s9 =	sadd.s32 $0xFFFFFEF7, lr;
	s5 =	simm.s32 $0xFFFFFFFF;
	p2 =	slt.u32 s8, $0xFFFFF086  }
0x1c: {  	p1 =	slt.u32 s9, $0xF7A;
	s5 =	simm.s32 @!p2 $0x0  }
0x1d: {  	s5 =	simm.s32 @p1 $0x1;
	p0 =	seq.s32 s7, s2  }
0x1e: {  	s7 =	smul.u32 @!p0 $0xF7A, s2;
	p2 =	seq.s32 @!p0 s5, $0x0  }
0x1f: {  	s9 =	smul.u32 $0xF7A, s1;
	s8 =	simm.s32 @!p0 $0x1BF5;
	p2 =	por !p2, p0  }
0x20: {  	[sflag:s8] =	ssyncset.s32 @!p0 $0xFFFFF086;
	s6 =	sadd.s32 @!p0 s3, s7;
	s7 =	simm.s32 @!p0 $0x108  }
0x21: {  	s3 =	sadd.s32 s3, s9;
	s6 =	sadd.s32 @!p0 $0x88, s6;
	s7 =	simm.s32 @p2 $0x1082  }
0x22: {  	[simem:s7], [sflag:s8] =	dma.local @!p0 [hbm:s6], $0xF7A  }
0x23: {  	s9 =	sor.u32 $0xD0000000, s2;
	s6 =	simm.s32 $0x108;
	_ =	swait.ge @!p0 [sflag:s8], $0x0  }
0x24: {  	s3 =	sadd.s32 $0x88, s3;
	s6 =	simm.s32 @!p1 $0x1082;
	[sflag:s4] =	ssyncset.s32 $0xFFFFF086  }
0x25: {  	[simem:s6], [sflag:s4] =	dma.local [hbm:s3], $0xF7A  }
0x26: {  	[smem:$0x3F9F] =	sst s1;
	(tag) =	ssettag s2;
	_ =	strace s9  }
0x27: {  	s1 =	sld [smem:$0x3FAF]  }
0x28: {  	s2 =	sld [smem:$0x3FB0]  }
0x29: {  	s4 =	sld [smem:$0x3FB2]  }
0x2a: {  	p0 =	seq.s32 s5, $0x0;
	s5 =	sld [smem:$0x3FB3]  }
0x2b: {  	s6 =	sld [smem:$0x3FB4]  }
0x2c: {  	s7 =	sld [smem:$0x3FB5]  }
0x2d: {  	s3 =	simm.s32 $0x108;
	s8 =	sld [smem:$0x3FB6]  }
0x2e: {  	s3 =	simm.s32 @!p0 $0x1082;
	s9 =	sld [smem:$0x3FB7]  }
0x2f: {  	lr =	sadd.s32 s0, s3;
	s0 =	sld [smem:$0x3FAE]  }
0x30: {  	s3 =	sld [smem:$0x3FB1]  }
0x31: {  	[smem:$0x3FBA] =	sst s10  }
0x32: {  	s10 =	sld [smem:$0x3FB8];
	_ =	sdelay $0x3  }
0x33: {  	p0 =	seq.s32 s10, $0x1;
	s10 =	sld [smem:$0x3FBA];
	_ =	sdelay $0x3  }
0x34: {  	[smem:$0x3FBA] =	sst s10  }
0x35: {  	s10 =	sld [smem:$0x3FB9];
	_ =	sdelay $0x3  }
0x36: {  	p1 =	seq.s32 s10, $0x1;
	s10 =	sld [smem:$0x3FBA];
	_ =	sdelay $0x3  }
0x37: {  	[smem:$0x3FBA] =	sst s10  }
0x38: {  	s10 =	sld [smem:$0x3FBB]  }
0x39: {  	_ = 	snop;
	(pc) =	sbr.ind lr, $3  }
0x3a: {  	_ = 	snop  }
0x3b: {  	_ = 	snop  }
0x3c: {  	p2 =	seq.s32 s10, $0x1;
	s10 =	sld [smem:$0x3FBA]  }
0x3d: {  	_ =	shalt  }
0x3e: {  	_ =	shalt  }
0x3f: {  	_ =	shalt  }
0x40: {  	_ =	shalt  }
0x41: {  	_ =	shalt  }
0x42: {  	_ =	shalt  }
0x43: {  	_ =	shalt  }
0x44: {  	_ =	shalt  }
0x45: {  	_ =	shalt  }
0x46: {  	_ =	shalt  }
0x47: {  	_ =	shalt  }
0x48: {  	_ =	shalt  }
0x49: {  	_ =	shalt  }
0x4a: {  	_ =	shalt  }
0x4b: {  	_ =	shalt  }
0x4c: {  	_ =	shalt  }
0x4d: {  	_ =	shalt  }
0x4e: {  	_ =	shalt  }
0x4f: {  	_ =	shalt  }
0x50: {  	_ =	shalt  }
0x51: {  	_ =	shalt  }
0x52: {  	_ =	shalt  }
0x53: {  	_ =	shalt  }
0x54: {  	_ =	shalt  }
0x55: {  	_ =	shalt  }
0x56: {  	_ =	shalt  }
0x57: {  	_ =	shalt  }
0x58: {  	_ =	shalt  }
0x59: {  	_ =	shalt  }
0x5a: {  	_ =	shalt  }
0x5b: {  	_ =	shalt  }
0x5c: {  	_ =	shalt  }
0x5d: {  	_ =	shalt  }
0x5e: {  	_ =	shalt  }
0x5f: {  	_ =	shalt  }
0x60: {  	_ =	shalt  }
0x61: {  	_ =	shalt  }
0x62: {  	_ =	shalt  }
0x63: {  	_ =	shalt  }
0x64: {  	_ =	shalt  }
0x65: {  	_ =	shalt  }
0x66: {  	_ =	shalt  }
0x67: {  	_ =	shalt  }
0x68: {  	_ =	shalt  }
0x69: {  	_ =	shalt  }
0x6a: {  	_ =	shalt  }
0x6b: {  	_ =	shalt  }
0x6c: {  	_ =	shalt  }
0x6d: {  	_ =	shalt  }
0x6e: {  	_ =	shalt  }
0x6f: {  	_ =	shalt  }
0x70: {  	_ =	shalt  }
0x71: {  	_ =	shalt  }
0x72: {  	_ =	shalt  }
0x73: {  	_ =	shalt  }
0x74: {  	_ =	shalt  }
0x75: {  	_ =	shalt  }
0x76: {  	_ =	shalt  }
0x77: {  	_ =	shalt  }
0x78: {  	_ =	shalt  }
0x79: {  	_ =	shalt  }
0x7a: {  	_ =	shalt  }
0x7b: {  	_ =	shalt  }
0x7c: {  	_ =	shalt  }
0x7d: {  	_ =	shalt  }
0x7e: {  	_ =	shalt  }
0x7f: {  	_ =	shalt  }
0x80: {  	_ =	shalt  }
0x81: {  	_ =	shalt  }
0x82: {  	_ =	shalt  }
0x83: {  	_ =	shalt  }
0x84: {  	_ =	shalt  }
0x85: {  	_ =	shalt  }
0x86: {  	_ =	shalt  }
0x87: {  	_ =	shalt  }
.Lfunc_end0:
.L_simem_size_0:
called_computation_lowered:
.L_overlay_start_0:
0x88: {  	s2 =	sld [smem:$0x3FD9]  }
0x89: {  	s3 =	sld [smem:$0x3FFE];
	_ =	sdelay $0x1  }
0x8a: {  	s1 =	srdreg.scid  }
0x8b: {  	s0 =	sand.u32 $0x1, s1  }
0x8c: {  	s16 =	sshll.u32 s0, $0xA;
	s2 =	sadd.s32 s3, s2  }
0x8d: {  	s2 =	sadd.s32 s2, s16  }
0x8e: {  	[smem:$0x3FC6] =	sst s2  }
0x8f: {  	_ = 	snop  }
0x90: {  	(tm) =	ssettm $0x1  }
0x91: {  	s17 =	sld [smem:$0x3FFB];
	_ =	sdelay $0x3  }
0x92: {  	_ =	strace s17  }
0x93: {  	s2 =	sld [smem:$0x3FFC];
	_ =	sdelay $0x3  }
0x94: {  	_ =	strace s2  }
0x95: {  	s2 =	sld [smem:$0x3FFD];
	_ =	sdelay $0x3  }
0x96: {  	_ =	strace s2  }
0x97: {  	_ =	strace $0x8FFFFFFF  }
0x98: {  	s18 =	sld [smem:$0x3FDB];
	_ =	sdelay $0x1  }
0x99: {  	s19 =	simm.s32 $_scs_section_size  }
0x9a: {  	s4 =	simm.s32 $_size__tile_overlayer_lowered;
	s5 =	simm.s32 $_tile_overlayer_lowered  }
0x9b: {  	s22 =	simm.s32 $0x1BFF;
	s21 =	sshll.u32 s5, $0x1;
	s2 =	sadd.s32 s19, s18  }
0x9c: {  	s6 =	simm.s32 $0x0;
	s20 =	sshll.u32 s4, $0x1;
	s4 =	sadd.s32 s21, s2  }
0x9d: {  	[timem:s6], [sflag:s22] =	dma.local [hbm:s4], s20  }
0x9e: {  	_ =	swait.ge [sflag:s22], s20  }
0x9f: {  	s3 =	ssub.s32 $0x0, s20;
	[sflag:s22] =	ssyncset.done $0x0  }
0xa0: {  	[sflag:s22] =	ssyncadd.s32 s3;
	_ =	sdelay $0x1  }
0xa1: {  	s23 =	simm.s32 $0x1B8B  }
0xa2: {  	_ =	swait.ge [sflag:s23], $0x1  }
0xa3: {  	[sflag:s23] =	ssyncset.done $0x0  }
0xa4: {  	s25 =	simm.s32 $0x1B8E;
	s24 =	sld [smem:$0x3FFE];
	[sflag:s23] =	ssyncadd.s32 $0xFFFFFFFF  }
0xa5: {  	s26 =	simm.s32 $execute0_lowered;
	[smem:$0x3FD2] =	sst s25  }
0xa6: {  	s4 =	sshll.u32 s26, $0x1;
	_ =	strace $0x80000046;
	[dreg:$0x1] =	wrdreg $0xFFFFFFFF  }
0xa7: {  	s28 =	simm.s32 $_size_execute0_lowered;
	s2 =	sadd.s32 s2, s4;
	[dreg:$0x0] =	wrdreg $0x0  }
0xa8: {  	s4 =	sshll.u32 s28, $0x1;
	[dreg:$0x2] =	wrdreg s2  }
0xa9: {  	[dreg:$0x3] =	wrdreg s4  }
0xaa: {  	[dreg:$0x4] =	wrdreg $0xC0  }
0xab: {  	_ =	task [dreg:s6], $0x5FFFF  }
0xac: {  	[dreg:$0x1] =	wrdreg $0xFFFFFFFF  }
0xad: {  	[dreg:$0x0] =	wrdreg $0x60  }
0xae: {  	[dreg:$0x2] =	wrdreg s24  }
0xaf: {  	[dreg:$0x3] =	wrdreg $0x9  }
0xb0: {  	_ =	task.clear_ibuf [dreg:s6], $0x4FFFF;
	_ =	strace $0x90000046  }
0xb1: {  	s29 =	simm.s32 $0x9;
	_ =	strace $0x80000048  }
0xb2: {  	_ =	swait.ge [sflag:s29], $0x1  }
0xb3: {  	[sflag:s29] =	ssyncadd.s32 $0xFFFFFFFF  }
0xb4: {  	_ =	strace $0x90000048  }
0xb5: {  	_ =	sfence  }
0xb6: {  	s30 =	sld [smem:$0x0];
	_ =	sdelay $0x2  }
0xb7: {  	s31 =	sshll.u32 s1, $0xD;
	s1 =	sshrl.u32 s1, $0x2  }
0xb8: {  	s3 =	sand.u32 $0x4000, s31;
	s1 =	sadd.s32 s1, s30  }
0xb9: {  	s0 =	sor.u32 s3, s0;
	s1 =	sshll.u32 s1, $0x11  }
0xba: {  	s0 =	sor.u32 s1, s0  }
0xbb: {  	s0 =	sadd.s32 $0x8F2B, s0  }
0xbc: {  	[sflag:s0] =	ssyncadd.remote.s32 $0x1  }
0xbd: {  	_ =	sfence.sel $0xFFFF  }
0xbe: {  	[dreg:$0x0] =	wrdreg $0xFFFFFFFF;
	(pc) =	sbr.abs _section_cstart, $3  }
0xbf: {  	[dreg:$0x1] =	wrdreg $0xFFFFFFFF  }
0xc0: {  	_ =	task.clear_ibuf [dreg:s6], $0x2FFFF;
	_ =	strace $0x9FFFFFFF  }
0xc1: {  	(tm) =	ssettm $0x7FFFFFFF  }
tec
execute0_lowered:
.L_overlay_start_1:
0x0: {  	(tag) =	ssettag $0x1  }
0x1: {  	s3 =	rddreg [dreg:$0x0]  }
0x2: {  	s0 =	rddreg [dreg:$0x1];
	s2 =	simm.s32 $0x0;
	s4 =	srdreg.scid  }
0x3: {  	s1 =	stileid.u32;
	s8 =	simm.s32 $0x400;
	s9 =	simm.s32 $0x800  }
0x4: {  	[smem:$0x7FF] =	sst s2;
	s4 =	sand.u32 $0x1, s4;
	s5 =	sshll.u32 s1, $0x1  }
0x5: {  	s10 =	simm.s32 $0x0;
	_ =	strace $0x80000047;
	s5 =	sor.u32 s4, s5  }
0x6: {  	s4 =	ssub.s32 $0x2, s4;
	s6 =	sshll.u32 s5, $0x7;
	s5 =	sshll.u32 s5, $0x5  }
0x7: {  	s31 =	sshrl.u32 s4, $0x1;
	s6 =	sadd.s32 s6, s3;
	s5 =	sadd.s32 s5, s3  }
0x8: {  	s7 =	ssub.s32 s4, s31;
	s3 =	sadd.s32 $0x1400, s6;
	s4 =	sadd.s32 $0x2800, s6  }
0x9: {  	v0 =	vimm.s32 $0x0;
	s5 =	sadd.s32 $0x2400, s5;
	s6 =	smax.u32 s7, $0x1;
	s7 =	simm.s32 $0x1  }
.LBB2_1:
0xa: {  	[tilespmem:s2], [sflag:$0x1] =	stream.linear.gather [hbm4b:s3+s2], $0x400, $0x38;
	[tilespmem:$0x900] =	vst v63  }
0xb: {  	_ =	swait.ge [sflag:s7], $0x400  }
0xc: {  	[sflag:s7] =	ssyncset.done $0x0  }
0xd: {  	s13 =	simm.s32 $0x0;
	[sflag:s7] =	ssyncadd.s32 $0xFFFFFC00  }
0xe: {  	v1 =	vld [tilespmem:s13+$0x0]  }
0xf: {  	v2 =	vld [tilespmem:s13+$0x80]  }
0x10: {  	v3 =	vld [tilespmem:s13+$0x100]  }
0x11: {  	v4 =	vld [tilespmem:s13+$0x180]  }
0x12: {  	v5 =	vld [tilespmem:s13+$0x200]  }
0x13: {  	v6 =	vld [tilespmem:s13+$0x280]  }
0x14: {  	v7 =	vld [tilespmem:s13+$0x300];
	v8 =	vmax.f32 v1, v2  }
0x15: {  	v9 =	vld [tilespmem:s13+$0x380];
	v8 =	vmax.f32 v8, v3  }
0x16: {  	s11 =	simm.s32 $0x10;
	v8 =	vmax.f32 v8, v4  }
0x17: {  	v10 =	vld [tilespmem:s11+$0x0];
	v8 =	vmax.f32 v8, v5  }
0x18: {  	v11 =	vld [tilespmem:s11+$0x80];
	v8 =	vmax.f32 v8, v6  }
0x19: {  	v12 =	vld [tilespmem:s11+$0x100];
	v8 =	vmax.f32 v8, v7  }
0x1a: {  	v8 =	vmax.f32 v8, v9  }
0x1b: {  	v1 =	vsub.f32 v1, v8  }
0x1c: {  	v13 =	vld [tilespmem:s11+$0x180];
	v2 =	vsub.f32 v2, v8  }
0x1d: {  	v15 =	vld [tilespmem:s11+$0x200];
	v14 =	vmax.f32 v10, v11;
	v3 =	vsub.f32 v3, v8;
	v1 =	vmul.f32 $1.442695020e+00, v1  }
0x1e: {  	v16 =	vld [tilespmem:s11+$0x280];
	v14 =	vmax.f32 v14, v12;
	v2 =	vmul.f32 $1.442695020e+00, v2  }
0x1f: {  	v3 =	vmul.f32 $1.442695020e+00, v3;
	(erf) = vpow2.f32 v1;
	v1 =	vsub.f32 v5, v8;
	v5 =	vld [tilespmem:s11+$0x300]  }
0x20: {  	v9 =	vsub.f32 v9, v8;
	(erf) = vpow2.f32 v2;
	v2 =	vsub.f32 v6, v8;
	v6 =	vld [tilespmem:s11+$0x380]  }
0x21: {  	(erf) = vpow2.f32 v3;
	v1 =	vmul.f32 $1.442695020e+00, v1;
	v3 =	vmax.f32 v14, v13  }
0x22: {  	v4 =	vsub.f32 v4, v8;
	v2 =	vmul.f32 $1.442695020e+00, v2;
	v3 =	vmax.f32 v3, v15  }
0x23: {  	(erf) = vpow2.f32 v1;
	v1 =	vmul.f32 $1.442695020e+00, v9;
	v3 =	vmax.f32 v3, v16  }
0x24: {  	(erf) = vpow2.f32 v2;
	v2 =	vmax.f32 v3, v5  }
0x25: {  	v4 =	vmul.f32 $1.442695020e+00, v4;
	(erf) = vpow2.f32 v1;
	v1 =	vmax.f32 v2, v6  }
0x26: {  	v2 =	vsub.f32 v10, v1  }
0x27: {  	(erf) = vpow2.f32 v4  }
0x28: {  	v3 =	vsub.f32 v11, v1;
	v2 =	vmul.f32 $1.442695020e+00, v2  }
0x29: {  	v4 =	vsub.f32 v7, v8  }
0x2a: {  	v7 =	vpop (erf);
	v3 =	vmul.f32 $1.442695020e+00, v3  }
0x2b: {  	v4 =	vmul.f32 $1.442695020e+00, v4;
	v8 =	vpop (erf);
	(erf) = vpow2.f32 v2  }
0x2c: {  	v2 =	vpop (erf);
	(erf) = vpow2.f32 v3  }
0x2d: {  	v3 =	vadd.f32 v8, v7;
	v9 =	vpop (erf);
	(erf) = vpow2.f32 v4  }
0x2e: {  	v17 =	vpop (erf)  }
0x2f: {  	v3 =	vadd.f32 v3, v2;
	v10 =	vpop (erf)  }
0x30: {  	v4 =	vpop (erf)  }
0x31: {  	v3 =	vadd.f32 v3, v4  }
0x32: {  	s12 =	simm.s32 $0x20  }
0x33: {  	v18 =	vld [tilespmem:s12+$0x0];
	v3 =	vadd.f32 v3, v9  }
0x34: {  	v19 =	vld [tilespmem:s12+$0x80];
	v11 =	vpop (erf)  }
0x35: {  	v20 =	vld [tilespmem:s12+$0x100];
	v14 =	vpop (erf);
	v3 =	vadd.f32 v3, v17  }
0x36: {  	v12 =	vsub.f32 v12, v1;
	v21 =	vpop (erf)  }
0x37: {  	v22 =	vld [tilespmem:s12+$0x180];
	v3 =	vadd.f32 v3, v21  }
0x38: {  	v23 =	vld [tilespmem:s12+$0x200];
	v12 =	vmul.f32 $1.442695020e+00, v12  }
0x39: {  	v24 =	vld [tilespmem:s12+$0x280];
	v26 =	vmax.f32 v18, v19;
	v15 =	vsub.f32 v15, v1;
	v3 =	vadd.f32 v3, v10  }
0x3a: {  	v25 =	vld [tilespmem:s12+$0x300];
	v26 =	vmax.f32 v26, v20;
	(erf) = vpow2.f32 v12;
	v12 =	vsub.f32 v16, v1  }
0x3b: {  	v6 =	vsub.f32 v6, v1;
	v16 =	vld [tilespmem:s12+$0x380];
	(erf) = vrcp.f32 v3;
	v3 =	vmul.f32 $1.442695020e+00, v15  }
0x3c: {  	v13 =	vsub.f32 v13, v1;
	v12 =	vmul.f32 $1.442695020e+00, v12;
	v15 =	vmax.f32 v26, v22  }
0x3d: {  	v15 =	vmax.f32 v15, v23;
	(erf) = vpow2.f32 v3;
	v3 =	vmul.f32 $1.442695020e+00, v6  }
0x3e: {  	v13 =	vmul.f32 $1.442695020e+00, v13;
	v6 =	vmax.f32 v15, v24;
	(erf) = vpow2.f32 v12  }
0x3f: {  	v6 =	vmax.f32 v6, v25;
	(erf) = vpow2.f32 v3  }
0x40: {  	v12 =	vmax.f32 v6, v16;
	(erf) = vpow2.f32 v13  }
0x41: {  	v3 =	vsub.f32 v18, v12  }
0x42: {  	v1 =	vsub.f32 v5, v1;
	v6 =	vsub.f32 v19, v12  }
0x43: {  	v18 =	vpop (erf);
	v3 =	vmul.f32 $1.442695020e+00, v3  }
0x44: {  	v1 =	vmul.f32 $1.442695020e+00, v1;
	v5 =	vmul.f32 $1.442695020e+00, v6;
	v26 =	vpop (erf)  }
0x45: {  	(erf) = vpow2.f32 v3;
	v6 =	vmul.f32 v26, v8  }
0x46: {  	v3 =	vadd.f32 v14, v11;
	(erf) = vpow2.f32 v5;
	v5 =	vmul.f32 v26, v7;
	v19 =	vpop (erf)  }
0x47: {  	v27 =	vsub.f32 v16, v12;
	v7 =	vsub.f32 v20, v12;
	(erf) = vpow2.f32 v1;
	v15 =	vpop (erf)  }
0x48: {  	v3 =	vadd.f32 v3, v18;
	vm0 =	vgt.f32 v6, $-1.000000000e+00;
	vm1 =	vgt.f32 v6, v5;
	v1 =	vpop (erf)  }
0x49: {  	v16 =	vmul.f32 v26, v2;
	v8 =	vnsel vm0, $0xBF800000, v6;
	vm3 =	vmneg vm1;
	v31 =	vpop (erf)  }
0x4a: {  	v2 =	vadd.f32 v3, v31;
	v3 =	vsel vm3, v8, v5  }
0x4b: {  	v7 =	vmul.f32 $1.442695020e+00, v7;
	vm2 =	vgt.f32 v16, v3  }
0x4c: {  	v23 =	vsub.f32 v23, v12;
	v13 =	vmul.f32 v26, v4;
	v3 =	vsel vm2, v16, v3  }
0x4d: {  	[tilespmem:s13+$0x480] =	vst v6;
	(erf) = vpow2.f32 v7;
	v7 =	vsel vm3, v5, v6;
	v8 =	vadd.f32 v2, v19  }
0x4e: {  	v24 =	vsub.f32 v24, v12;
	[tilespmem:s13+$0x400] =	vst v5;
	v28 =	vsel vm1, $0x1, v0;
	vm1 =	vgt.f32 v16, v7;
	v2 =	vpop (erf)  }
0x4f: {  	v4 =	vmul.f32 v26, v21;
	[tilespmem:s13+$0x580] =	vst v13;
	v5 =	vsel vm1, v7, v3;
	v8 =	vadd.f32 v8, v15;
	v3 =	vpop (erf)  }
0x50: {  	v32 =	vmul.f32 v26, v17;
	[tilespmem:s13+$0x500] =	vst v16;
	v6 =	vmul.f32 v26, v9;
	vm0 =	vmand vm3, vm0;
	v21 =	vpop (erf)  }
0x51: {  	[tilespmem:s13+$0x700] =	vst v4;
	v7 =	vsel vm1, v16, v7;
	vm5 =	vgt.f32 v13, v5;
	v8 =	vadd.f32 v8, v21  }
0x52: {  	[tilespmem:s13+$0x680] =	vst v32;
	v9 =	vsel vm0, $0x1, v0;
	vm6 =	vgt.f32 v13, v7;
	v5 =	vsel vm5, v13, v5  }
0x53: {  	s14 =	simm.s32 $0x30;
	[tilespmem:s13+$0x600] =	vst v6;
	v34 =	vsel vm6, v13, v7;
	v16 =	vsel vm6, v7, v5;
	v7 =	vadd.f32 v8, v1  }
0x54: {  	v41 =	vsub.f32 v25, v12;
	v23 =	vmul.f32 $1.442695020e+00, v23;
	v30 =	vld [tilespmem:s14+$0x80];
	v9 =	vsel vm2, $0x2, v9  }
0x55: {  	v17 =	vadd.f32 v3, v2;
	v8 =	vsub.f32 v22, v12;
	v22 =	vld [tilespmem:s14+$0x0];
	(erf) = vrcp.f32 v7  }
0x56: {  	v24 =	vmul.f32 $1.442695020e+00, v24;
	v29 =	vsel vm1, $0x2, v28;
	v36 =	vld [tilespmem:s14+$0x100];
	v9 =	vsel vm1, v28, v9;
	v5 =	vpop (erf)  }
0x57: {  	v33 =	vsel vm6, $0x3, v29;
	vm4 =	vgt.f32 v6, v16;
	v35 =	vadd.f32 v17, v5;
	v17 =	vld [tilespmem:s14+$0x180]  }
0x58: {  	v9 =	vsel vm5, $0x3, v9;
	vm3 =	vgt.f32 v6, v34;
	v38 =	vsel vm4, v6, v16;
	v16 =	vld [tilespmem:s14+$0x200]  }
0x59: {  	v20 =	vld [tilespmem:s14+$0x280];
	v37 =	vsel vm3, v6, v34;
	v13 =	vsel vm3, $0x4, v33;
	v34 =	vsel vm3, v34, v38  }
0x5a: {  	vm0 =	vgt.f32 v32, v37;
	v12 =	vld [tilespmem:s14+$0x300];
	vm10 =	vgt.f32 v32, v34;
	v25 =	vmax.f32 v22, v30  }
0x5b: {  	v28 =	vld [tilespmem:s14+$0x380];
	v7 =	vsel vm0, v32, v37;
	v39 =	vmul.f32 $1.442695020e+00, v8;
	v25 =	vmax.f32 v25, v36  }
0x5c: {  	v8 =	vsel vm0, $0x5, v13;
	(erf) = vpow2.f32 v23;
	v23 =	vmax.f32 v25, v17  }
0x5d: {  	v32 =	vsel vm10, v32, v34;
	v25 =	vmul.f32 $1.442695020e+00, v27;
	v23 =	vmax.f32 v23, v16  }
0x5e: {  	(erf) = vpow2.f32 v24;
	v27 =	vsel vm6, v29, v9;
	v23 =	vmax.f32 v23, v20;
	v9 =	vpop (erf)  }
0x5f: {  	(erf) = vpow2.f32 v25;
	v24 =	vmul.f32 v9, v14;
	v14 =	vmax.f32 v23, v12  }
0x60: {  	vm7 =	vgt.f32 v4, v7;
	(erf) = vpow2.f32 v39;
	v25 =	vmax.f32 v14, v28  }
0x61: {  	v23 =	vmul.f32 v26, v10;
	v26 =	vmul.f32 v9, v11;
	v11 =	vsub.f32 v30, v25  }
0x62: {  	v37 =	vsel vm0, v37, v32;
	v40 =	vsel vm7, v4, v7;
	v10 =	vsub.f32 v22, v25  }
0x63: {  	v6 =	vsel vm7, $0x6, v8;
	v14 =	vsub.f32 v36, v25;
	v11 =	vmul.f32 $1.442695020e+00, v11  }
0x64: {  	vm1 =	vmmov vm7;
	vm7 =	vgt.f32 v24, $-1.000000000e+00;
	v10 =	vmul.f32 $1.442695020e+00, v10  }
0x65: {  	v22 =	vmul.f32 $1.442695020e+00, v41;
	v36 =	vmul.f32 $1.442695020e+00, v14;
	v14 =	vnsel vm7, $0xBF800000, v24  }
0x66: {  	vm5 =	vgt.f32 v24, v26;
	(erf) = vpow2.f32 v10;
	v10 =	vsel vm4, $0x4, v27  }
0x67: {  	vm9 =	vgt.f32 v4, v37;
	vm8 =	vmneg vm5;
	(erf) = vpow2.f32 v11;
	v11 =	vpop (erf)  }
0x68: {  	v59 =	vmul.f32 v9, v31;
	v27 =	vsel vm8, v14, v26;
	(erf) = vpow2.f32 v22;
	v14 =	vpop (erf)  }
0x69: {  	v31 =	vmul.f32 v9, v21;
	vm2 =	vgt.f32 v23, v40;
	v60 =	vsel vm3, v33, v10;
	v10 =	vpop (erf)  }
0x6a: {  	v30 =	vsub.f32 v28, v25;
	v22 =	vmul.f32 v9, v18;
	(erf) = vpow2.f32 v36;
	v18 =	vpop (erf)  }
0x6b: {  	v58 =	vsel vm2, $0x7, v6;
	v29 =	vsel vm5, $0x1, v0;
	v21 =	vadd.f32 v35, v18  }
0x6c: {  	[tilespmem:s11+$0x480] =	vst v24;
	v28 =	vsel vm8, v26, v24;
	v36 =	vmul.f32 v9, v19;
	vm6 =	vgt.f32 v22, v27  }
0x6d: {  	[tilespmem:s13+$0x780] =	vst v23;
	vm5 =	vgt.f32 v22, v28;
	v19 =	vsel vm6, v22, v27;
	v27 =	vadd.f32 v21, v11  }
0x6e: {  	[tilespmem:s11+$0x400] =	vst v26;
	vm4 =	vmand vm8, vm7;
	v24 =	vsel vm5, v22, v28;
	v19 =	vsel vm5, v28, v19  }
0x6f: {  	[tilespmem:s13+$0x800] =	vst v58;
	v33 =	vsel vm5, $0x2, v29;
	v35 =	vsel vm4, $0x1, v0;
	vm7 =	vgt.f32 v59, v19;
	v21 =	vpop (erf)  }
0x70: {  	[tilespmem:s11+$0x580] =	vst v59;
	vm8 =	vgt.f32 v59, v24;
	v28 =	vsel vm7, v59, v19;
	v61 =	vadd.f32 v27, v14;
	v26 =	vpop (erf)  }
0x71: {  	[tilespmem:s11+$0x700] =	vst v31;
	v19 =	vmul.f32 v9, v15;
	v62 =	vsel vm8, v24, v28;
	v24 =	vsel vm8, v59, v24;
	v27 =	vpop (erf)  }
0x72: {  	[tilespmem:s11+$0x500] =	vst v22;
	vm4 =	vgt.f32 v36, v62;
	v63 =	vadd.f32 v26, v21;
	v38 =	vadd.f32 v61, v27  }
0x73: {  	[tilespmem:s11+$0x600] =	vst v36;
	v28 =	vsel vm8, $0x3, v33;
	vm3 =	vgt.f32 v36, v24;
	v22 =	vsel vm4, v36, v62;
	v15 =	vpop (erf)  }
0x74: {  	s15 =	simm.s32 $0x100;
	[tilespmem:s11+$0x680] =	vst v19;
	v32 =	vadd.f32 v63, v15;
	v39 =	vadd.f32 v38, v10;
	v38 =	vsel vm10, $0x5, v60  }
.LBB2_2:
0x75: {  	s16 =	sshra.s32 s15, $0x2;
	p0 =	sne.s32 s15, $0x1C0;
	s15 =	sadd.s32 $0x40, s15;
	v17 =	vsub.f32 v17, v25;
	v34 =	vsel vm3, v36, v24;
	v36 =	vsel vm0, v13, v38  }
0x76: {  	v37 =	vsel vm9, v4, v37;
	v4 =	vmovc v31;
	v38 =	vld [tilespmem:s16+$0x100];
	(erf) = vrcp.f32 v39;
	vm0 =	vgt.f32 v19, v34  }
0x77: {  	v13 =	vsel vm3, $0x4, v28;
	v36 =	vsel vm9, $0x6, v36;
	v31 =	vld [tilespmem:s16+$0x0];
	v39 =	vsel vm0, v19, v34  }
0x78: {  	v41 =	vmul.f32 $1.442695020e+00, v17;
	v36 =	vsel vm1, v8, v36;
	v40 =	vld [tilespmem:s16+$0x80];
	vm9 =	vgt.f32 v4, v39  }
0x79: {  	v37 =	vsel vm1, v7, v37;
	v8 =	vsel vm0, $0x5, v13;
	v7 =	vmovc v39;
	v17 =	vld [tilespmem:s16+$0x180];
	v42 =	vsel vm9, v4, v39  }
0x7a: {  	v43 =	vsub.f32 v16, v25;
	vm1 =	vgt.f32 v23, v37;
	v44 =	vsel vm9, $0x6, v8;
	v39 =	vld [tilespmem:s16+$0x280]  }
0x7b: {  	v20 =	vsub.f32 v20, v25;
	v37 =	vsub.f32 v12, v25;
	v23 =	vsel vm1, $0x7, v36;
	v16 =	vld [tilespmem:s16+$0x200]  }
0x7c: {  	v35 =	vsel vm6, $0x2, v35;
	v25 =	vmul.f32 $1.442695020e+00, v43;
	v23 =	vsel vm2, v6, v23;
	v6 =	vmovc v44;
	v12 =	vld [tilespmem:s16+$0x300]  }
0x7d: {  	v29 =	vsel vm5, v29, v35;
	v44 =	vmul.f32 $1.442695020e+00, v20;
	v36 =	vld [tilespmem:s16+$0x380];
	v43 =	vmax.f32 v31, v40;
	[tilespmem:s13+$0x880] =	vst v23;
	s13 =	smov.u32 s11;
	s11 =	smov.u32 s12;
	s12 =	smov.u32 s14  }
0x7e: {  	s14 =	smov.u32 s16;
	v23 =	vmax.f32 v43, v38;
	(erf) = vpow2.f32 v25;
	v25 =	vsel vm7, $0x3, v29  }
0x7f: {  	v29 =	vmul.f32 $1.442695020e+00, v30;
	v23 =	vmax.f32 v23, v17;
	v30 =	vpop (erf);
	v33 =	vsel vm8, v33, v25  }
0x80: {  	vm1 =	vmmov vm9;
	v20 =	vmovc v39;
	v23 =	vmax.f32 v23, v16;
	(erf) = vpow2.f32 v44  }
0x81: {  	v35 =	vmul.f32 v30, v3;
	v3 =	vmovc v26;
	v23 =	vmax.f32 v23, v20;
	(erf) = vpow2.f32 v29  }
0x82: {  	v25 =	vmax.f32 v23, v12;
	(erf) = vpow2.f32 v41;
	v23 =	vmul.f32 v9, v1;
	v9 =	vmovc v30;
	v1 =	vmovc v10  }
0x83: {  	vm7 =	vgt.f32 v35, $-1.000000000e+00;
	v25 =	vmax.f32 v25, v36;
	v26 =	vmul.f32 v9, v2;
	[tilespmem:s11+$0x480] =	vst v35;
	v2 =	vmovc v21  }
0x84: {  	v10 =	vsub.f32 v31, v25;
	v21 =	vsub.f32 v40, v25;
	[tilespmem:s13+$0x780] =	vst v23;
	vm2 =	vgt.f32 v23, v42  }
0x85: {  	v29 =	vsub.f32 v38, v25;
	v31 =	vmul.f32 $1.442695020e+00, v37;
	[tilespmem:s11+$0x400] =	vst v26;
	vm5 =	vgt.f32 v35, v26  }
0x86: {  	v37 =	vsel vm2, $0x7, v6;
	v10 =	vmul.f32 $1.442695020e+00, v10;
	v21 =	vmul.f32 $1.442695020e+00, v21  }
0x87: {  	v30 =	vsub.f32 v36, v25;
	v36 =	vnsel vm7, $0xBF800000, v35;
	v38 =	vmul.f32 $1.442695020e+00, v29;
	v39 =	vpop (erf);
	[tilespmem:s13+$0x800] =	vst v37  }
0x88: {  	vm8 =	vmneg vm5;
	v29 =	vsel vm5, $0x1, v0;
	(erf) = vpow2.f32 v10  }
0x89: {  	v41 =	vmul.f32 v9, v18;
	(erf) = vpow2.f32 v21;
	v40 =	vpop (erf);
	v21 =	vsel vm4, $0x4, v33  }
0x8a: {  	v33 =	vmul.f32 v9, v5;
	v5 =	vsel vm8, v36, v26;
	(erf) = vpow2.f32 v31;
	v10 =	vpop (erf)  }
0x8b: {  	v26 =	vsel vm8, v26, v35;
	(erf) = vpow2.f32 v38;
	v18 =	vpop (erf);
	[tilespmem:s11+$0x580] =	vst v41;
	v38 =	vsel vm3, v28, v21  }
0x8c: {  	v31 =	vmul.f32 v9, v27;
	vm5 =	vgt.f32 v33, v26;
	vm6 =	vgt.f32 v33, v5;
	[tilespmem:s11+$0x500] =	vst v33  }
0x8d: {  	v36 =	vmul.f32 v9, v11;
	vm4 =	vmand vm8, vm7;
	v11 =	vmovc v39;
	v21 =	vsel vm6, v33, v5;
	v5 =	vmovc v15  }
0x8e: {  	v35 =	vsel vm4, $0x1, v0;
	v15 =	vadd.f32 v32, v18;
	v21 =	vsel vm5, v26, v21;
	[tilespmem:s11+$0x700] =	vst v31  }
0x8f: {  	v39 =	vsel vm5, v33, v26;
	v33 =	vsel vm5, $0x2, v29;
	vm7 =	vgt.f32 v41, v21;
	[tilespmem:s11+$0x600] =	vst v36  }
0x90: {  	v22 =	vsel vm3, v24, v22;
	v15 =	vadd.f32 v15, v11;
	v27 =	vsel vm7, v41, v21  }
0x91: {  	vm10 =	vgt.f32 v19, v22;
	v42 =	vmul.f32 v9, v14;
	vm8 =	vgt.f32 v41, v39;
	v21 =	vpop (erf)  }
.Ltmp0:
0x92: {  	v19 =	vsel vm10, v19, v22;
	v44 =	vadd.f32 v15, v40;
	v24 =	vsel vm8, v39, v27;
	v26 =	vpop (erf);
	(pc) =	sbr.rel @p0 .LBB2_2-.Ltmp0, $4  }
0x93: {  	v28 =	vsel vm8, $0x3, v33;
	vm4 =	vgt.f32 v36, v24;
	v32 =	vadd.f32 v26, v21;
	v27 =	vpop (erf);
	[tilespmem:s11+$0x680] =	vst v42  }
0x94: {  	v37 =	vsel vm0, v34, v19;
	v22 =	vsel vm4, v36, v24;
	v15 =	vpop (erf);
	v43 =	vadd.f32 v44, v27  }
0x95: {  	vm9 =	vgt.f32 v4, v37;
	v14 =	vmovc v40;
	v24 =	vsel vm8, v41, v39;
	v32 =	vadd.f32 v32, v15  }
0x96: {  	v19 =	vmovc v42;
	v38 =	vsel vm10, $0x5, v38;
	vm3 =	vgt.f32 v36, v24;
	v39 =	vadd.f32 v43, v10  }
0x97: {  	v16 =	vsub.f32 v16, v25  }
0x98: {  	v20 =	vsub.f32 v20, v25;
	v17 =	vsub.f32 v17, v25;
	v60 =	vmul.f32 $1.442695020e+00, v30  }
0x99: {  	v61 =	vsel vm3, v36, v24;
	v13 =	vsel vm0, v13, v38;
	v16 =	vmul.f32 $1.442695020e+00, v16  }
0x9a: {  	v4 =	vsel vm9, v4, v37;
	(erf) = vrcp.f32 v39;
	v20 =	vmul.f32 $1.442695020e+00, v20  }
0x9b: {  	v62 =	vsel vm3, $0x4, v28;
	v40 =	vsub.f32 v12, v25;
	(erf) = vpow2.f32 v16  }
0x9c: {  	v45 =	vsel vm6, $0x2, v35;
	v17 =	vmul.f32 $1.442695020e+00, v17;
	(erf) = vpow2.f32 v20  }
0x9d: {  	v9 =	vmul.f32 v9, v1;
	v22 =	vsel vm3, v24, v22;
	(erf) = vpow2.f32 v60  }
0x9e: {  	vm0 =	vgt.f32 v19, v61;
	v13 =	vsel vm9, $0x6, v13;
	(erf) = vpow2.f32 v17  }
0x9f: {  	v4 =	vsel vm1, v7, v4;
	v46 =	vsel vm5, v29, v45;
	v63 =	vsel vm0, v19, v61  }
0xa0: {  	v8 =	vsel vm1, v8, v13;
	v41 =	vsel vm0, $0x5, v62;
	vm15 =	vgt.f32 v23, v4  }
0xa1: {  	v7 =	vmul.f32 $1.442695020e+00, v40;
	v1 =	vsel vm7, $0x3, v46;
	vm14 =	vgt.f32 v31, v63  }
0xa2: {  	v8 =	vsel vm15, $0x7, v8;
	v42 =	vsel vm14, v31, v63;
	v44 =	vsel vm14, $0x6, v41  }
0xa3: {  	v6 =	vsel vm2, v6, v8;
	v8 =	vsel vm8, v33, v1;
	vm5 =	vmmov vm14;
	v43 =	vpop (erf)  }
0xa4: {  	vm14 =	vgt.f32 v19, v22;
	vm2 =	vgt.f32 v9, v42;
	(erf) = vpow2.f32 v7;
	v25 =	vpop (erf)  }
0xa5: {  	v8 =	vsel vm4, $0x4, v8;
	v19 =	vsel vm14, v19, v22;
	v4 =	vsel vm2, $0x7, v44;
	v7 =	vpop (erf)  }
0xa6: {  	v8 =	vsel vm3, v28, v8;
	v19 =	vsel vm0, v61, v19;
	v3 =	vmul.f32 v43, v3;
	v1 =	vpop (erf)  }
0xa7: {  	v8 =	vsel vm14, $0x5, v8;
	v2 =	vmul.f32 v43, v2;
	v18 =	vmul.f32 v43, v18;
	v47 =	vpop (erf)  }
0xa8: {  	v5 =	vmul.f32 v43, v5;
	v27 =	vmul.f32 v43, v27;
	v32 =	vadd.f32 v32, v47  }
0xa9: {  	v8 =	vsel vm0, v62, v8;
	v11 =	vmul.f32 v43, v11;
	v14 =	vmul.f32 v43, v14  }
0xaa: {  	vm9 =	vgt.f32 v3, $-1.000000000e+00;
	vm10 =	vgt.f32 v3, v2;
	v32 =	vadd.f32 v32, v25  }
0xab: {  	v10 =	vmul.f32 v43, v10;
	v48 =	vnsel vm9, $0xBF800000, v3;
	vm11 =	vmneg vm10  }
0xac: {  	v49 =	vsel vm10, $0x1, v0;
	vm10 =	vgt.f32 v31, v19;
	v50 =	vadd.f32 v32, v7  }
0xad: {  	v30 =	vsel vm11, v48, v2;
	v34 =	vsel vm11, v2, v3;
	vm1 =	vmand vm11, vm9;
	v51 =	vpop (erf)  }
0xae: {  	v59 =	vsel vm10, v31, v19;
	v8 =	vsel vm10, $0x6, v8;
	v28 =	vadd.f32 v50, v51  }
0xaf: {  	vm4 =	vgt.f32 v5, v34;
	vm6 =	vgt.f32 v5, v30;
	v52 =	vsel vm1, $0x1, v0  }
0xb0: {  	v8 =	vsel vm5, v41, v8;
	v62 =	vsel vm5, v63, v59;
	v54 =	vadd.f32 v28, v1  }
0xb1: {  	v30 =	vsel vm6, v5, v30;
	v53 =	vsel vm4, $0x2, v49;
	vm5 =	vgt.f32 v9, v62  }
0xb2: {  	v30 =	vsel vm4, v34, v30;
	v34 =	vsel vm4, v5, v34;
	(erf) = vrcp.f32 v54  }
0xb3: {  	v39 =	vsel vm6, $0x2, v52;
	v8 =	vsel vm5, $0x7, v8;
	vm13 =	vgt.f32 v18, v34  }
0xb4: {  	v40 =	vsel vm4, v49, v39;
	vm12 =	vgt.f32 v18, v30;
	v57 =	vsel vm13, v18, v34  }
0xb5: {  	v8 =	vsel vm2, v44, v8;
	v30 =	vsel vm12, v18, v30;
	vm15 =	vgt.f32 v11, v57  }
0xb6: {  	v56 =	vsel vm13, $0x3, v53;
	v42 =	vsel vm12, $0x3, v40;
	v58 =	vsel vm15, v11, v57  }
0xb7: {  	v55 =	vsel vm13, v34, v30;
	v13 =	vsel vm13, v53, v42;
	vm1 =	vgt.f32 v14, v58  }
0xb8: {  	vm7 =	vgt.f32 v11, v55;
	v60 =	vsel vm15, $0x4, v56;
	v61 =	vsel vm1, v14, v58  }
0xb9: {  	v13 =	vsel vm7, $0x4, v13;
	v63 =	vsel vm1, $0x5, v60;
	vm11 =	vgt.f32 v27, v61  }
0xba: {  	[tilespmem:s13+$0x880] =	vst v6;
	v13 =	vsel vm15, v56, v13;
	v28 =	vsel vm7, v11, v55;
	v37 =	vsel vm11, v27, v61  }
0xbb: {  	[tilespmem:s12+$0x480] =	vst v3;
	v38 =	vsel vm11, $0x6, v63;
	vm2 =	vmmov vm11;
	v24 =	vsel vm15, v57, v28;
	v41 =	vpop (erf)  }
0xbc: {  	[tilespmem:s11+$0x780] =	vst v9;
	vm0 =	vgt.f32 v10, v37;
	vm15 =	vgt.f32 v14, v24;
	v43 =	vmul.f32 v41, v26  }
0xbd: {  	[tilespmem:s12+$0x400] =	vst v2;
	v17 =	vsel vm0, $0x7, v38;
	v21 =	vmul.f32 v41, v21;
	v29 =	vmul.f32 v41, v47  }
0xbe: {  	[tilespmem:s11+$0x800] =	vst v4;
	v54 =	vsel vm15, $0x5, v13;
	v15 =	vmul.f32 v41, v15;
	v46 =	vmul.f32 v41, v51  }
0xbf: {  	[tilespmem:s12+$0x600] =	vst v11;
	v11 =	vsel vm1, v60, v54;
	v3 =	vmul.f32 v41, v25;
	v7 =	vmul.f32 v41, v7  }
0xc0: {  	v51 =	vsel vm15, v14, v24;
	v1 =	vmul.f32 v41, v1;
	vm12 =	vgt.f32 v43, $-1.000000000e+00  }
0xc1: {  	[tilespmem:s12+$0x580] =	vst v18;
	v18 =	vsel vm1, v58, v51;
	vm13 =	vgt.f32 v43, v21;
	v26 =	vnsel vm12, $0xBF800000, v43  }
0xc2: {  	vm14 =	vmneg vm13;
	v44 =	vsel vm13, $0x1, v0;
	vm13 =	vgt.f32 v27, v18  }
0xc3: {  	v26 =	vsel vm14, v26, v21;
	v45 =	vsel vm14, v21, v43;
	vm6 =	vmand vm14, vm12  }
0xc4: {  	v56 =	vsel vm13, v27, v18;
	v11 =	vsel vm13, $0x6, v11;
	vm4 =	vgt.f32 v15, v45  }
0xc5: {  	vm5 =	vgt.f32 v15, v26;
	v48 =	vsel vm6, $0x1, v0;
	v11 =	vsel vm2, v63, v11  }
0xc6: {  	[tilespmem:s12+$0x680] =	vst v14;
	v14 =	vsel vm2, v61, v56;
	v47 =	vsel vm5, v15, v26;
	v49 =	vsel vm4, v15, v45  }
0xc7: {  	v2 =	vsel vm4, $0x2, v44;
	v9 =	vsel vm5, $0x2, v48;
	v22 =	vsel vm4, v45, v47  }
0xc8: {  	[tilespmem:s12+$0x500] =	vst v5;
	vm11 =	vgt.f32 v10, v14;
	vm3 =	vgt.f32 v29, v49;
	vm6 =	vgt.f32 v29, v22  }
0xc9: {  	[tilespmem:s12+$0x700] =	vst v27;
	v9 =	vsel vm4, v44, v9;
	v62 =	vsel vm11, $0x7, v11;
	v50 =	vsel vm6, v29, v22  }
0xca: {  	[tilespmem:s11+$0x880] =	vst v8;
	v52 =	vsel vm3, $0x3, v2;
	v53 =	vsel vm3, v29, v49;
	v4 =	vsel vm3, v49, v50  }
0xcb: {  	[tilespmem:s14+$0x480] =	vst v43;
	v63 =	vsel vm0, v38, v62;
	vm12 =	vgt.f32 v3, v53;
	vm7 =	vgt.f32 v3, v4  }
0xcc: {  	[tilespmem:s12+$0x780] =	vst v10;
	v9 =	vsel vm6, $0x3, v9;
	v55 =	vsel vm12, v3, v53;
	v4 =	vsel vm7, v3, v4  }
0xcd: {  	[tilespmem:s14+$0x400] =	vst v21;
	v57 =	vsel vm12, $0x4, v52;
	vm14 =	vgt.f32 v7, v55;
	v4 =	vsel vm12, v53, v4  }
0xce: {  	[tilespmem:s12+$0x800] =	vst v17;
	v2 =	vsel vm3, v2, v9;
	v58 =	vsel vm14, v7, v55;
	vm10 =	vgt.f32 v7, v4  }
0xcf: {  	[tilespmem:s14+$0x580] =	vst v29;
	v59 =	vsel vm14, $0x5, v57;
	v2 =	vsel vm7, $0x4, v2;
	v4 =	vsel vm10, v7, v4  }
0xd0: {  	[tilespmem:s14+$0x500] =	vst v15;
	vm15 =	vgt.f32 v46, v58;
	v2 =	vsel vm12, v52, v2;
	v4 =	vsel vm14, v55, v4  }
0xd1: {  	[tilespmem:s14+$0x700] =	vst v46;
	v60 =	vsel vm15, v46, v58;
	v2 =	vsel vm10, $0x5, v2;
	vm13 =	vgt.f32 v46, v4  }
0xd2: {  	[tilespmem:s14+$0x600] =	vst v3;
	vm12 =	vmmov vm15;
	v2 =	vsel vm14, v57, v2;
	v3 =	vsel vm13, v46, v4  }
0xd3: {  	[tilespmem:s14+$0x680] =	vst v7;
	v61 =	vsel vm15, $0x6, v59;
	v2 =	vsel vm13, $0x6, v2;
	v3 =	vsel vm12, v58, v3  }
0xd4: {  	[tilespmem:s12+$0x880] =	vst v63;
	vm14 =	vgt.f32 v1, v60;
	v2 =	vsel vm12, v59, v2;
	vm15 =	vgt.f32 v1, v3  }
0xd5: {  	[tilespmem:s14+$0x780] =	vst v1;
	v1 =	vsel vm14, $0x7, v61;
	v2 =	vsel vm15, $0x7, v2  }
0xd6: {  	[tilespmem:s14+$0x800] =	vst v1;
	v1 =	vsel vm14, v61, v2  }
0xd7: {  	[tilespmem:s14+$0x880] =	vst v1  }
0xd8: {  	[hbm4b:s4+s2] =	stream.linear.scatter [tilespmem:s8], [sflag:$0x1], $0x400, $0x38;
	[tilespmem:$0x900] =	vst v63  }
0xd9: {  	s10 =	sadd.s32 $0x1, s10;
	_ =	swait.ge [sflag:s7], $0x400  }
0xda: {  	p0 =	sne.s32 s10, s6;
	[sflag:s7] =	ssyncset.done $0x0  }
.Ltmp1:
0xdb: {  	[sflag:s7] =	ssyncadd.s32 $0xFFFFFC00;
	(pc) =	sbr.rel @p0 .LBB2_1-.Ltmp1, $4  }
0xdc: {  	[hbm4b:s5+s2] =	stream.linear.scatter [tilespmem:s9], [sflag:$0x1], $0x100, $0x38;
	[tilespmem:$0x900] =	vst v63  }
0xdd: {  	_ =	swait.ge [sflag:s7], $0x100  }
0xde: {  	[sflag:s7] =	ssyncset.done $0x0  }
0xdf: {  	[sflag:s7] =	ssyncadd.s32 $0xFFFFFF00  }
0xe0: {  	_ =	sfence.sel $0x180000  }
0xe1: {  	[bflag:$0x0] =	sbarrier.arrive $0xFFFF  }
0xe2: {  	p0 =	sne.s32 s1, $0x0;
	_ =	strace $0x90000047  }
0xe3: {  	s0 =	sadd.s32 @!p0 $0x100000, s0;
	[bflag:$0x2] =	sbarrier.arrive $0xFFFF  }
0xe4: {  	[sflag:s0] =	ssyncadd.tile.s32 @!p0 $0x1;
	_ =	shalt  }
.Lfunc_end2:
_tile_overlayer_lowered:
.L_overlay_start_2:
0xe5: {  	(tag) =	ssettag $0x2  }
0xe6: {  	s0 =	rddreg [dreg:$0x0];
	s2 =	stileid.u32  }
0xe7: {  	s1 =	rddreg [dreg:$0x1];
	p0 =	sne.s32 s2, $0x0  }
0xe8: {  	s3 =	rddreg [dreg:$0x2];
	[bflag:$0x3] =	sbarrier.arrive $0xFFFF;
	s2 =	simm.s32 @!p0 $0x1C01  }
0xe9: {  	[timem:s3], [sflag:s2] =	dma.local @!p0 [hbm:s0], s1  }
0xea: {  	s0 =	simm.s32 @!p0 $0x1  }
0xeb: {  	_ =	swait.ge @!p0 [sflag:s0], s1  }
0xec: {  	s1 =	ssub.s32 @!p0 $0x0, s1;
	[sflag:s0] =	ssyncset.done @!p0 $0x0  }
0xed: {  	[sflag:s0] =	ssyncadd.s32 @!p0 s1  }
0xee: {  	[bflag:$0x3] =	sbarrier.arrive $0xFFFF  }
0xef: {  	_ =	shalt  }

</sc_bundles>
